<compile_context>
chip_gen: v7x
topology: tpu7x:2x2x1
jax: 0.10.2.dev20260603
libtpu: 0.0.44.dev20260713+nightly
codegen_flags: <defaults>
</compile_context>

<pallas_src>
import functools

import jax
import jax.numpy as jnp
from jax import lax
from jax.experimental import pallas as pl
from jax.experimental.pallas import tpu as pltpu
from jax.experimental.pallas import tpu_sc as plsc

N = 10000
E = 320000
D = 128

NC = 2
NS = 16
NW = NC * NS

CH = 128
NCH = 80
NCH2 = NCH // 2
NBUF = 2
E_PAD = NW * NCH * CH

NP = 10240
ROWS_PER_TILE = NP // NS


def _sc_segment_sum(support, src2d, dst2d, zeros):
  mesh = plsc.VectorSubcoreMesh(core_axis_name="c", subcore_axis_name="s")

  @functools.partial(
      pl.kernel,
      out_type=(
          jax.ShapeDtypeStruct((NP, D), jnp.float32),
          jax.ShapeDtypeStruct((NP, D), jnp.float32),
      ),
      mesh=mesh,
      scratch_types=[
          pltpu.VMEM((NCH2, CH), jnp.int32),
          pltpu.VMEM((NCH2, CH), jnp.int32),
          pltpu.VMEM((NBUF, CH, D), jnp.float32),
          pltpu.VMEM_SHARED((NP, D), jnp.float32),
          pltpu.SemaphoreType.DMA((NBUF,)),
      ],
  )
  def k(support_hbm, src_hbm, dst_hbm, zeros_hbm, p0_hbm, p1_hbm,
        src_h, dst_h, rows, acc, sems):
    cid = lax.axis_index("c")
    sid = lax.axis_index("s")
    wid = cid * NS + sid

    r0 = sid * ROWS_PER_TILE
    pltpu.sync_copy(zeros_hbm.at[pl.ds(r0, ROWS_PER_TILE)],
                    acc.at[pl.ds(r0, ROWS_PER_TILE)])

    def load_half(h):
      rbase = pl.multiple_of(wid * NCH + h * NCH2, 8)
      pltpu.sync_copy(src_hbm.at[pl.ds(rbase, NCH2)], src_h)
      pltpu.sync_copy(dst_hbm.at[pl.ds(rbase, NCH2)], dst_h)

    def gather(c, j):
      pltpu.async_copy(support_hbm.at[src_h.at[c]], rows.at[j], sems.at[j])

    def wait_gather(j):
      pltpu.make_async_copy(zeros_hbm.at[pl.ds(0, CH)], rows.at[j],
                            sems.at[j]).wait()

    def scatter(c, j):
      pltpu.sync_copy(rows.at[j], acc.at[dst_h.at[c]], add=True)

    load_half(0)
    plsc.subcore_barrier()

    def body(i, carry):
      c = i * NBUF
      for j in range(NBUF):
        wait_gather(j)
        scatter(c + j, j)
        gather(c + NBUF + j, j)
      return carry

    for h in range(2):
      if h:
        load_half(1)
      for j in range(NBUF):
        gather(j, j)
      lax.fori_loop(0, NCH2 // NBUF - 1, body, 0)
      for j in range(NBUF):
        wait_gather(j)
        scatter(NCH2 - NBUF + j, j)

    plsc.subcore_barrier()

    @pl.when(cid == 0)
    def _():
      pltpu.sync_copy(acc.at[pl.ds(r0, ROWS_PER_TILE)],
                      p0_hbm.at[pl.ds(r0, ROWS_PER_TILE)])

    @pl.when(cid == 1)
    def _():
      pltpu.sync_copy(acc.at[pl.ds(r0, ROWS_PER_TILE)],
                      p1_hbm.at[pl.ds(r0, ROWS_PER_TILE)])

  return k(support, src2d, dst2d, zeros)


_BLK = 1000


def _tc_matmul(x, w, b):
  def body(x_ref, w_ref, b_ref, o_ref):
    o_ref[...] = jnp.dot(x_ref[...], w_ref[...],
                         preferred_element_type=jnp.float32) + b_ref[...]

  return pl.pallas_call(
      body,
      grid=(N // _BLK,),
      in_specs=[
          pl.BlockSpec((_BLK, D), lambda i: (i, 0)),
          pl.BlockSpec((D, D), lambda i: (0, 0)),
          pl.BlockSpec((1, D), lambda i: (0, 0)),
      ],
      out_specs=pl.BlockSpec((_BLK, D), lambda i: (i, 0)),
      out_shape=jax.ShapeDtypeStruct((N, D), jnp.float32),
  )(x, w, b)


def _tc_relu_add_matmul(p0, p1, w, b):
  def body(p0_ref, p1_ref, w_ref, b_ref, o_ref):
    h = jnp.maximum(p0_ref[...] + p1_ref[...], 0.0)
    o_ref[...] = jnp.dot(h, w_ref[...],
                         preferred_element_type=jnp.float32) + b_ref[...]

  return pl.pallas_call(
      body,
      grid=(N // _BLK,),
      in_specs=[
          pl.BlockSpec((_BLK, D), lambda i: (i, 0)),
          pl.BlockSpec((_BLK, D), lambda i: (i, 0)),
          pl.BlockSpec((D, D), lambda i: (0, 0)),
          pl.BlockSpec((1, D), lambda i: (0, 0)),
      ],
      out_specs=pl.BlockSpec((_BLK, D), lambda i: (i, 0)),
      out_shape=jax.ShapeDtypeStruct((N, D), jnp.float32),
  )(p0, p1, w, b)


def _tc_add(p0, p1):
  def body(p0_ref, p1_ref, o_ref):
    o_ref[...] = p0_ref[...] + p1_ref[...]

  return pl.pallas_call(
      body,
      grid=(N // _BLK,),
      in_specs=[
          pl.BlockSpec((_BLK, D), lambda i: (i, 0)),
          pl.BlockSpec((_BLK, D), lambda i: (i, 0)),
      ],
      out_specs=pl.BlockSpec((_BLK, D), lambda i: (i, 0)),
      out_shape=jax.ShapeDtypeStruct((N, D), jnp.float32),
  )(p0, p1)


def _pad_edges(edge_index):
  pad = E_PAD - E
  src = jnp.concatenate([edge_index[0], jnp.zeros((pad,), jnp.int32)])
  dst = jnp.concatenate([edge_index[1], jnp.full((pad,), N, jnp.int32)])
  return src.reshape(NW * NCH, CH), dst.reshape(NW * NCH, CH)


@jax.jit
def kernel(x, adj, W1, b1, W2, b2):
  adj = adj.astype(jnp.int32)
  src1, dst1 = _pad_edges(adj[0])
  src2, dst2 = _pad_edges(adj[1])
  zeros = jnp.zeros((NP, D), jnp.float32)
  b1r = b1.reshape(1, D)
  b2r = b2.reshape(1, D)

  support1 = _tc_matmul(x, W1, b1r)
  p0, p1 = _sc_segment_sum(support1, src1, dst1, zeros)
  support2 = _tc_relu_add_matmul(p0, p1, W2, b2r)
  q0, q1 = _sc_segment_sum(support2, src2, dst2, zeros)
  return _tc_add(q0, q1)

# --- scband reference (transcript-rebuilt; emitter-appended) ---
"""Pipeline reference for scband-euc-gcencoder-9869834846904 (READ-ONLY COPY).

The authoritative reference and input builder live on the scoring server;
editing this copy changes nothing except your own understanding.
"""

import jax, jax.numpy as jnp
import numpy as np

N = 10000
E = 320000
D_IN = 128
D_HID = 128
D_OUT = 128


def setup_inputs(seed: int = 0) -> dict:
    key = jax.random.key(seed)
    k1, k2, k3, k4, k5 = jax.random.split(key, 5)
    x = jax.random.normal(k1, (N, D_IN), dtype=jnp.float32)
    # adj packs two edge-index tensors (one per GC layer): adj[l] = int[2, E] with rows (src, dst)
    adj_np = np.random.default_rng(0).integers(0, N, size=(2, 2, E), dtype=np.int64)
    adj = jnp.asarray(adj_np)
    W1 = jax.random.normal(k2, (D_IN, D_HID), dtype=jnp.float32) * (1.0 / np.sqrt(D_IN))
    b1 = jnp.zeros((D_HID,), dtype=jnp.float32)
    W2 = jax.random.normal(k3, (D_HID, D_OUT), dtype=jnp.float32) * (1.0 / np.sqrt(D_HID))
    b2 = jnp.zeros((D_OUT,), dtype=jnp.float32)
    return {"x": x, "adj": adj, "W1": W1, "b1": b1, "W2": W2, "b2": b2}


def _euc_gc_layer(x, edge_index, W, b, act):
    # EucGCLayer: linear transform, sparse adjacency aggregation (scatter-add), activation.
    support = x @ W + b
    src = edge_index[0]
    dst = edge_index[1]
    msgs = jnp.take(support, src, axis=0)
    agg = jax.ops.segment_sum(msgs, dst, num_segments=x.shape[0])
    return act(agg)


def reference(x, adj, W1, b1, W2, b2):
    # Dropout is identity in eval mode.
    h = _euc_gc_layer(x, adj[0], W1, b1, jax.nn.relu)
    out = _euc_gc_layer(h, adj[1], W2, b2, lambda a: a)
    return out

if __name__ == "__main__":
    import jax
    _d = setup_inputs()
    print(jax.jit(kernel)(*tuple(_d.values())))

</pallas_src>

<mosaic_0001>
#map = affine_map<(d0, d1) -> (0, 0)>
module attributes {stable_mosaic.version = 14 : i64} {
  func.func @k(%arg0: i32, %arg1: i32, %arg2: memref<10000x128xf32, #tpu.memory_space<hbm>>, %arg3: memref<2560x128xi32, #tpu.memory_space<hbm>>, %arg4: memref<2560x128xi32, #tpu.memory_space<hbm>>, %arg5: memref<10240x128xf32, #tpu.memory_space<hbm>>, %arg6: memref<10240x128xf32, #tpu.memory_space<hbm>>, %arg7: memref<10240x128xf32, #tpu.memory_space<hbm>>, %arg8: memref<40x128xi32, #tpu.memory_space<vmem>>, %arg9: memref<40x128xi32, #tpu.memory_space<vmem>>, %arg10: memref<2x128x128xf32, #tpu.memory_space<vmem>>, %arg11: memref<10240x128xf32, #tpu.memory_space<vmem_shared>>, %arg12: memref<2x!tpu.dma_semaphore, #tpu.memory_space<semaphore_mem>>) attributes {dimension_semantics = [#tpu.dimension_semantics<core_parallel>, #tpu.dimension_semantics<subcore_parallel>], iteration_bounds = array<i64: 2, 16>, scalar_prefetch = 0 : i64, scratch_operands = 5 : i64, tpu.core_type = #tpu.core_type<sc_vector_subcore>, window_params = [{transform_indices = #map}, {transform_indices = #map}, {transform_indices = #map}, {transform_indices = #map}, {transform_indices = #map}, {transform_indices = #map}]} {
    %mul3A = arith.constant 16 : i32
    %mul3A_0 = arith.muli %arg0, %mul3A : i32
    %add3A = arith.addi %mul3A_0, %arg1 : i32
    %mul3A_1 = arith.constant 640 : i32
    %mul3A_2 = arith.muli %arg1, %mul3A_1 : i32
    "tpu.region"() ({
      %run_scoped3A_168 = tpu.sem_alloc : memref<!tpu.dma_semaphore, #tpu.memory_space<semaphore_mem>>
      %dma_start3A_169 = arith.constant 0 : i32
      %dma_start3A_170 = tpu.memref_slice %arg11[%mul3A_2, %dma_start3A_169] : memref<10240x128xf32, #tpu.memory_space<vmem_shared>> -> memref<640x128xf32, #tpu.memory_space<vmem_shared>>
      %dma_start3A_171 = arith.constant 0 : i32
      %dma_start3A_172 = tpu.memref_slice %arg5[%mul3A_2, %dma_start3A_171] : memref<10240x128xf32, #tpu.memory_space<hbm>> -> memref<640x128xf32, #tpu.memory_space<hbm>>
      tpu.enqueue_dma source(%dma_start3A_172 : memref<640x128xf32, #tpu.memory_space<hbm>>) target(%dma_start3A_170 : memref<640x128xf32, #tpu.memory_space<vmem_shared>>) target_semaphore(%run_scoped3A_168 : memref<!tpu.dma_semaphore, #tpu.memory_space<semaphore_mem>>)
      %dma_wait3A_173 = arith.constant 0 : i32
      %dma_wait3A_174 = tpu.memref_slice %arg11[%mul3A_2, %dma_wait3A_173] : memref<10240x128xf32, #tpu.memory_space<vmem_shared>> -> memref<640x128xf32, #tpu.memory_space<vmem_shared>>
      %dma_wait3A_175 = arith.constant 0 : i32
      %dma_wait3A_176 = tpu.memref_slice %arg5[%mul3A_2, %dma_wait3A_175] : memref<10240x128xf32, #tpu.memory_space<hbm>> -> memref<640x128xf32, #tpu.memory_space<hbm>>
      tpu.wait_dma2 semaphore(%run_scoped3A_168 : memref<!tpu.dma_semaphore, #tpu.memory_space<semaphore_mem>>) src(%dma_wait3A_176 : memref<640x128xf32, #tpu.memory_space<hbm>>) dst(%dma_wait3A_174 : memref<640x128xf32, #tpu.memory_space<vmem_shared>>)
      tpu.yield
    }) : () -> ()
    %mul3A_3 = arith.constant 80 : i32
    %mul3A_4 = arith.muli %add3A, %mul3A_3 : i32
    %add3A_5 = arith.constant 0 : i32
    %add3A_6 = arith.addi %mul3A_4, %add3A_5 : i32
    %multiple_of3A = tpu.assume_multiple %add3A_6, 8 : i32
    "tpu.region"() ({
      %run_scoped3A_168 = tpu.sem_alloc : memref<!tpu.dma_semaphore, #tpu.memory_space<semaphore_mem>>
      %dma_start3A_169 = arith.constant 0 : i32
      %dma_start3A_170 = tpu.memref_slice %arg3[%multiple_of3A, %dma_start3A_169] : memref<2560x128xi32, #tpu.memory_space<hbm>> -> memref<40x128xi32, #tpu.memory_space<hbm>>
      %dma_start3A_171 = arith.constant 0 : i32
      %dma_start3A_172 = tpu.memref_slice %arg3[%multiple_of3A, %dma_start3A_171] : memref<2560x128xi32, #tpu.memory_space<hbm>> -> memref<40x128xi32, #tpu.memory_space<hbm>>
      tpu.enqueue_dma source(%dma_start3A_172 : memref<40x128xi32, #tpu.memory_space<hbm>>) target(%arg8 : memref<40x128xi32, #tpu.memory_space<vmem>>) target_semaphore(%run_scoped3A_168 : memref<!tpu.dma_semaphore, #tpu.memory_space<semaphore_mem>>)
      %dma_wait3A_173 = arith.constant 0 : i32
      %dma_wait3A_174 = tpu.memref_slice %arg3[%multiple_of3A, %dma_wait3A_173] : memref<2560x128xi32, #tpu.memory_space<hbm>> -> memref<40x128xi32, #tpu.memory_space<hbm>>
      %dma_wait3A_175 = arith.constant 0 : i32
      %dma_wait3A_176 = tpu.memref_slice %arg3[%multiple_of3A, %dma_wait3A_175] : memref<2560x128xi32, #tpu.memory_space<hbm>> -> memref<40x128xi32, #tpu.memory_space<hbm>>
      tpu.wait_dma2 semaphore(%run_scoped3A_168 : memref<!tpu.dma_semaphore, #tpu.memory_space<semaphore_mem>>) src(%dma_wait3A_176 : memref<40x128xi32, #tpu.memory_space<hbm>>) dst(%arg8 : memref<40x128xi32, #tpu.memory_space<vmem>>)
      tpu.yield
    }) : () -> ()
    "tpu.region"() ({
      %run_scoped3A_168 = tpu.sem_alloc : memref<!tpu.dma_semaphore, #tpu.memory_space<semaphore_mem>>
      %dma_start3A_169 = arith.constant 0 : i32
      %dma_start3A_170 = tpu.memref_slice %arg4[%multiple_of3A, %dma_start3A_169] : memref<2560x128xi32, #tpu.memory_space<hbm>> -> memref<40x128xi32, #tpu.memory_space<hbm>>
      %dma_start3A_171 = arith.constant 0 : i32
      %dma_start3A_172 = tpu.memref_slice %arg4[%multiple_of3A, %dma_start3A_171] : memref<2560x128xi32, #tpu.memory_space<hbm>> -> memref<40x128xi32, #tpu.memory_space<hbm>>
      tpu.enqueue_dma source(%dma_start3A_172 : memref<40x128xi32, #tpu.memory_space<hbm>>) target(%arg9 : memref<40x128xi32, #tpu.memory_space<vmem>>) target_semaphore(%run_scoped3A_168 : memref<!tpu.dma_semaphore, #tpu.memory_space<semaphore_mem>>)
      %dma_wait3A_173 = arith.constant 0 : i32
      %dma_wait3A_174 = tpu.memref_slice %arg4[%multiple_of3A, %dma_wait3A_173] : memref<2560x128xi32, #tpu.memory_space<hbm>> -> memref<40x128xi32, #tpu.memory_space<hbm>>
      %dma_wait3A_175 = arith.constant 0 : i32
      %dma_wait3A_176 = tpu.memref_slice %arg4[%multiple_of3A, %dma_wait3A_175] : memref<2560x128xi32, #tpu.memory_space<hbm>> -> memref<40x128xi32, #tpu.memory_space<hbm>>
      tpu.wait_dma2 semaphore(%run_scoped3A_168 : memref<!tpu.dma_semaphore, #tpu.memory_space<semaphore_mem>>) src(%dma_wait3A_176 : memref<40x128xi32, #tpu.memory_space<hbm>>) dst(%arg9 : memref<40x128xi32, #tpu.memory_space<vmem>>)
      tpu.yield
    }) : () -> ()
    %barrier3A = arith.constant 0 : index
    tpu.barrier barrier_id(%barrier3A)
    %dma_start3A = arith.constant 0 : i32
    %dma_start3A_7 = arith.constant 0 : i32
    %dma_start3A_8 = arith.constant 0 : i32
    %dma_start3A_9 = arith.constant 0 : i32
    %dma_start3A_10 = arith.constant 0 : i32
    %dma_start3A_11 = tpu.memref_slice %arg10[%dma_start3A_7, %dma_start3A_9, %dma_start3A_10] : memref<2x128x128xf32, #tpu.memory_space<vmem>> -> memref<1x128x128xf32, #tpu.memory_space<vmem>>
    %dma_start3A_12 = tpu.memref_squeeze %dma_start3A_11 : memref<1x128x128xf32, #tpu.memory_space<vmem>> -> memref<128x128xf32, #tpu.memory_space<vmem>>
    %dma_start3A_13 = arith.constant 0 : i32
    %dma_start3A_14 = tpu.memref_slice %arg8[%dma_start3A, %dma_start3A_13] : memref<40x128xi32, #tpu.memory_space<vmem>> -> memref<1x128xi32, #tpu.memory_space<vmem>>
    %dma_start3A_15 = tpu.memref_squeeze %dma_start3A_14 : memref<1x128xi32, #tpu.memory_space<vmem>> -> memref<128xi32, #tpu.memory_space<vmem>>
    %dma_start3A_16 = arith.constant 0 : i32
    %dma_start3A_17 = arith.constant 0 : i32
    %dma_start3A_18 = tpu.memref_slice %arg2[%dma_start3A_16, %dma_start3A_17] : memref<10000x128xf32, #tpu.memory_space<hbm>> -> memref<10000x128xf32, #tpu.memory_space<hbm>>
    %dma_start3A_19 = tpu.memref_slice %arg12[%dma_start3A_8] : memref<2x!tpu.dma_semaphore, #tpu.memory_space<semaphore_mem>> -> memref<1x!tpu.dma_semaphore, #tpu.memory_space<semaphore_mem>>
    %dma_start3A_20 = tpu.memref_squeeze %dma_start3A_19 : memref<1x!tpu.dma_semaphore, #tpu.memory_space<semaphore_mem>> -> memref<!tpu.dma_semaphore, #tpu.memory_space<semaphore_mem>>
    tpu.enqueue_indirect_dma source(%dma_start3A_18 : memref<10000x128xf32, #tpu.memory_space<hbm>>) target(%dma_start3A_12 : memref<128x128xf32, #tpu.memory_space<vmem>>) offsets(%dma_start3A_15 : memref<128xi32, #tpu.memory_space<vmem>>) semaphore(%dma_start3A_20 : memref<!tpu.dma_semaphore, #tpu.memory_space<semaphore_mem>>)
    %dma_start3A_21 = arith.constant 1 : i32
    %dma_start3A_22 = arith.constant 1 : i32
    %dma_start3A_23 = arith.constant 1 : i32
    %dma_start3A_24 = arith.constant 0 : i32
    %dma_start3A_25 = arith.constant 0 : i32
    %dma_start3A_26 = tpu.memref_slice %arg10[%dma_start3A_22, %dma_start3A_24, %dma_start3A_25] : memref<2x128x128xf32, #tpu.memory_space<vmem>> -> memref<1x128x128xf32, #tpu.memory_space<vmem>>
    %dma_start3A_27 = tpu.memref_squeeze %dma_start3A_26 : memref<1x128x128xf32, #tpu.memory_space<vmem>> -> memref<128x128xf32, #tpu.memory_space<vmem>>
    %dma_start3A_28 = arith.constant 0 : i32
    %dma_start3A_29 = tpu.memref_slice %arg8[%dma_start3A_21, %dma_start3A_28] : memref<40x128xi32, #tpu.memory_space<vmem>> -> memref<1x128xi32, #tpu.memory_space<vmem>>
    %dma_start3A_30 = tpu.memref_squeeze %dma_start3A_29 : memref<1x128xi32, #tpu.memory_space<vmem>> -> memref<128xi32, #tpu.memory_space<vmem>>
    %dma_start3A_31 = arith.constant 0 : i32
    %dma_start3A_32 = arith.constant 0 : i32
    %dma_start3A_33 = tpu.memref_slice %arg2[%dma_start3A_31, %dma_start3A_32] : memref<10000x128xf32, #tpu.memory_space<hbm>> -> memref<10000x128xf32, #tpu.memory_space<hbm>>
    %dma_start3A_34 = tpu.memref_slice %arg12[%dma_start3A_23] : memref<2x!tpu.dma_semaphore, #tpu.memory_space<semaphore_mem>> -> memref<1x!tpu.dma_semaphore, #tpu.memory_space<semaphore_mem>>
    %dma_start3A_35 = tpu.memref_squeeze %dma_start3A_34 : memref<1x!tpu.dma_semaphore, #tpu.memory_space<semaphore_mem>> -> memref<!tpu.dma_semaphore, #tpu.memory_space<semaphore_mem>>
    tpu.enqueue_indirect_dma source(%dma_start3A_33 : memref<10000x128xf32, #tpu.memory_space<hbm>>) target(%dma_start3A_27 : memref<128x128xf32, #tpu.memory_space<vmem>>) offsets(%dma_start3A_30 : memref<128xi32, #tpu.memory_space<vmem>>) semaphore(%dma_start3A_35 : memref<!tpu.dma_semaphore, #tpu.memory_space<semaphore_mem>>)
    %scan3A = arith.constant 0 : i32
    %scan3A_36 = arith.constant 0 : i32
    %scan3A_37 = arith.constant 19 : i32
    %scan3A_38 = arith.addi %scan3A_36, %scan3A_37 : i32
    %scan3A_39 = arith.constant 1 : i32
    scf.for %scan3A_168 = %scan3A_36 to %scan3A_38 step %scan3A_39  : i32 {
      %mul3A_169 = arith.constant 2 : i32
      %mul3A_170 = arith.muli %scan3A_168, %mul3A_169 : i32
      %dma_wait3A_171 = arith.constant 0 : i32
      %dma_wait3A_172 = arith.constant 0 : i32
      %dma_wait3A_173 = arith.constant 0 : i32
      %dma_wait3A_174 = arith.constant 0 : i32
      %dma_wait3A_175 = tpu.memref_slice %arg10[%dma_wait3A_171, %dma_wait3A_173, %dma_wait3A_174] : memref<2x128x128xf32, #tpu.memory_space<vmem>> -> memref<1x128x128xf32, #tpu.memory_space<vmem>>
      %dma_wait3A_176 = tpu.memref_squeeze %dma_wait3A_175 : memref<1x128x128xf32, #tpu.memory_space<vmem>> -> memref<128x128xf32, #tpu.memory_space<vmem>>
      %dma_wait3A_177 = arith.constant 0 : i32
      %dma_wait3A_178 = arith.constant 0 : i32
      %dma_wait3A_179 = tpu.memref_slice %arg5[%dma_wait3A_177, %dma_wait3A_178] : memref<10240x128xf32, #tpu.memory_space<hbm>> -> memref<128x128xf32, #tpu.memory_space<hbm>>
      %dma_wait3A_180 = tpu.memref_slice %arg12[%dma_wait3A_172] : memref<2x!tpu.dma_semaphore, #tpu.memory_space<semaphore_mem>> -> memref<1x!tpu.dma_semaphore, #tpu.memory_space<semaphore_mem>>
      %dma_wait3A_181 = tpu.memref_squeeze %dma_wait3A_180 : memref<1x!tpu.dma_semaphore, #tpu.memory_space<semaphore_mem>> -> memref<!tpu.dma_semaphore, #tpu.memory_space<semaphore_mem>>
      %dma_wait3A_182 = arith.constant 0 : i32
      %dma_wait3A_183 = arith.constant 0 : i32
      %dma_wait3A_184 = tpu.memref_slice %arg10[%dma_wait3A_171, %dma_wait3A_182, %dma_wait3A_183] : memref<2x128x128xf32, #tpu.memory_space<vmem>> -> memref<1x128x128xf32, #tpu.memory_space<vmem>>
      %dma_wait3A_185 = tpu.memref_squeeze %dma_wait3A_184 : memref<1x128x128xf32, #tpu.memory_space<vmem>> -> memref<128x128xf32, #tpu.memory_space<vmem>>
      %dma_wait3A_186 = arith.constant 0 : i32
      %dma_wait3A_187 = arith.constant 0 : i32
      %dma_wait3A_188 = tpu.memref_slice %arg5[%dma_wait3A_186, %dma_wait3A_187] : memref<10240x128xf32, #tpu.memory_space<hbm>> -> memref<128x128xf32, #tpu.memory_space<hbm>>
      tpu.wait_dma2 semaphore(%dma_wait3A_181 : memref<!tpu.dma_semaphore, #tpu.memory_space<semaphore_mem>>) src(%dma_wait3A_188 : memref<128x128xf32, #tpu.memory_space<hbm>>) dst(%dma_wait3A_185 : memref<128x128xf32, #tpu.memory_space<vmem>>)
      %add3A_189 = arith.constant 0 : i32
      %add3A_190 = arith.addi %mul3A_170, %add3A_189 : i32
      %run_scoped3A_191 = arith.constant 0 : i32
      "tpu.region"() ({
        %run_scoped3A_249 = tpu.sem_alloc : memref<!tpu.dma_semaphore, #tpu.memory_space<semaphore_mem>>
        %dma_start3A_250 = arith.constant 0 : i32
        %dma_start3A_251 = arith.constant 0 : i32
        %dma_start3A_252 = tpu.memref_slice %arg10[%run_scoped3A_191, %dma_start3A_250, %dma_start3A_251] : memref<2x128x128xf32, #tpu.memory_space<vmem>> -> memref<1x128x128xf32, #tpu.memory_space<vmem>>
        %dma_start3A_253 = tpu.memref_squeeze %dma_start3A_252 : memref<1x128x128xf32, #tpu.memory_space<vmem>> -> memref<128x128xf32, #tpu.memory_space<vmem>>
        %dma_start3A_254 = arith.constant 0 : i32
        %dma_start3A_255 = tpu.memref_slice %arg9[%add3A_190, %dma_start3A_254] : memref<40x128xi32, #tpu.memory_space<vmem>> -> memref<1x128xi32, #tpu.memory_space<vmem>>
        %dma_start3A_256 = tpu.memref_squeeze %dma_start3A_255 : memref<1x128xi32, #tpu.memory_space<vmem>> -> memref<128xi32, #tpu.memory_space<vmem>>
        %dma_start3A_257 = arith.constant 0 : i32
        %dma_start3A_258 = arith.constant 0 : i32
        %dma_start3A_259 = tpu.memref_slice %arg11[%dma_start3A_257, %dma_start3A_258] : memref<10240x128xf32, #tpu.memory_space<vmem_shared>> -> memref<10240x128xf32, #tpu.memory_space<vmem_shared>>
        tpu.enqueue_indirect_dma source(%dma_start3A_253 : memref<128x128xf32, #tpu.memory_space<vmem>>) target(%dma_start3A_259 : memref<10240x128xf32, #tpu.memory_space<vmem_shared>>) offsets(%dma_start3A_256 : memref<128xi32, #tpu.memory_space<vmem>>) semaphore(%run_scoped3A_249 : memref<!tpu.dma_semaphore, #tpu.memory_space<semaphore_mem>>) {add = true}
        %dma_wait3A_260 = arith.constant 0 : i32
        %dma_wait3A_261 = arith.constant 0 : i32
        %dma_wait3A_262 = tpu.memref_slice %arg10[%run_scoped3A_191, %dma_wait3A_260, %dma_wait3A_261] : memref<2x128x128xf32, #tpu.memory_space<vmem>> -> memref<1x128x128xf32, #tpu.memory_space<vmem>>
        %dma_wait3A_263 = tpu.memref_squeeze %dma_wait3A_262 : memref<1x128x128xf32, #tpu.memory_space<vmem>> -> memref<128x128xf32, #tpu.memory_space<vmem>>
        %dma_wait3A_264 = arith.constant 0 : i32
        %dma_wait3A_265 = tpu.memref_slice %arg9[%add3A_190, %dma_wait3A_264] : memref<40x128xi32, #tpu.memory_space<vmem>> -> memref<1x128xi32, #tpu.memory_space<vmem>>
        %dma_wait3A_266 = tpu.memref_squeeze %dma_wait3A_265 : memref<1x128xi32, #tpu.memory_space<vmem>> -> memref<128xi32, #tpu.memory_space<vmem>>
        %dma_wait3A_267 = arith.constant 0 : i32
        %dma_wait3A_268 = arith.constant 0 : i32
        %dma_wait3A_269 = tpu.memref_slice %arg11[%dma_wait3A_267, %dma_wait3A_268] : memref<10240x128xf32, #tpu.memory_space<vmem_shared>> -> memref<10240x128xf32, #tpu.memory_space<vmem_shared>>
        tpu.wait_indirect_dma semaphore(%run_scoped3A_249 : memref<!tpu.dma_semaphore, #tpu.memory_space<semaphore_mem>>) src(%dma_wait3A_263 : memref<128x128xf32, #tpu.memory_space<vmem>>) dst(%dma_wait3A_269 : memref<10240x128xf32, #tpu.memory_space<vmem_shared>>)
        tpu.yield
      }) : () -> ()
      %add3A_192 = arith.constant 2 : i32
      %add3A_193 = arith.addi %mul3A_170, %add3A_192 : i32
      %add3A_194 = arith.constant 0 : i32
      %add3A_195 = arith.addi %add3A_193, %add3A_194 : i32
      %dma_start3A_196 = arith.constant 0 : i32
      %dma_start3A_197 = arith.constant 0 : i32
      %dma_start3A_198 = arith.constant 0 : i32
      %dma_start3A_199 = arith.constant 0 : i32
      %dma_start3A_200 = tpu.memref_slice %arg10[%dma_start3A_196, %dma_start3A_198, %dma_start3A_199] : memref<2x128x128xf32, #tpu.memory_space<vmem>> -> memref<1x128x128xf32, #tpu.memory_space<vmem>>
      %dma_start3A_201 = tpu.memref_squeeze %dma_start3A_200 : memref<1x128x128xf32, #tpu.memory_space<vmem>> -> memref<128x128xf32, #tpu.memory_space<vmem>>
      %dma_start3A_202 = arith.constant 0 : i32
      %dma_start3A_203 = tpu.memref_slice %arg8[%add3A_195, %dma_start3A_202] : memref<40x128xi32, #tpu.memory_space<vmem>> -> memref<1x128xi32, #tpu.memory_space<vmem>>
      %dma_start3A_204 = tpu.memref_squeeze %dma_start3A_203 : memref<1x128xi32, #tpu.memory_space<vmem>> -> memref<128xi32, #tpu.memory_space<vmem>>
      %dma_start3A_205 = arith.constant 0 : i32
      %dma_start3A_206 = arith.constant 0 : i32
      %dma_start3A_207 = tpu.memref_slice %arg2[%dma_start3A_205, %dma_start3A_206] : memref<10000x128xf32, #tpu.memory_space<hbm>> -> memref<10000x128xf32, #tpu.memory_space<hbm>>
      %dma_start3A_208 = tpu.memref_slice %arg12[%dma_start3A_197] : memref<2x!tpu.dma_semaphore, #tpu.memory_space<semaphore_mem>> -> memref<1x!tpu.dma_semaphore, #tpu.memory_space<semaphore_mem>>
      %dma_start3A_209 = tpu.memref_squeeze %dma_start3A_208 : memref<1x!tpu.dma_semaphore, #tpu.memory_space<semaphore_mem>> -> memref<!tpu.dma_semaphore, #tpu.memory_space<semaphore_mem>>
      tpu.enqueue_indirect_dma source(%dma_start3A_207 : memref<10000x128xf32, #tpu.memory_space<hbm>>) target(%dma_start3A_201 : memref<128x128xf32, #tpu.memory_space<vmem>>) offsets(%dma_start3A_204 : memref<128xi32, #tpu.memory_space<vmem>>) semaphore(%dma_start3A_209 : memref<!tpu.dma_semaphore, #tpu.memory_space<semaphore_mem>>)
      %dma_wait3A_210 = arith.constant 1 : i32
      %dma_wait3A_211 = arith.constant 1 : i32
      %dma_wait3A_212 = arith.constant 0 : i32
      %dma_wait3A_213 = arith.constant 0 : i32
      %dma_wait3A_214 = tpu.memref_slice %arg10[%dma_wait3A_210, %dma_wait3A_212, %dma_wait3A_213] : memref<2x128x128xf32, #tpu.memory_space<vmem>> -> memref<1x128x128xf32, #tpu.memory_space<vmem>>
      %dma_wait3A_215 = tpu.memref_squeeze %dma_wait3A_214 : memref<1x128x128xf32, #tpu.memory_space<vmem>> -> memref<128x128xf32, #tpu.memory_space<vmem>>
      %dma_wait3A_216 = arith.constant 0 : i32
      %dma_wait3A_217 = arith.constant 0 : i32
      %dma_wait3A_218 = tpu.memref_slice %arg5[%dma_wait3A_216, %dma_wait3A_217] : memref<10240x128xf32, #tpu.memory_space<hbm>> -> memref<128x128xf32, #tpu.memory_space<hbm>>
      %dma_wait3A_219 = tpu.memref_slice %arg12[%dma_wait3A_211] : memref<2x!tpu.dma_semaphore, #tpu.memory_space<semaphore_mem>> -> memref<1x!tpu.dma_semaphore, #tpu.memory_space<semaphore_mem>>
      %dma_wait3A_220 = tpu.memref_squeeze %dma_wait3A_219 : memref<1x!tpu.dma_semaphore, #tpu.memory_space<semaphore_mem>> -> memref<!tpu.dma_semaphore, #tpu.memory_space<semaphore_mem>>
      %dma_wait3A_221 = arith.constant 0 : i32
      %dma_wait3A_222 = arith.constant 0 : i32
      %dma_wait3A_223 = tpu.memref_slice %arg10[%dma_wait3A_210, %dma_wait3A_221, %dma_wait3A_222] : memref<2x128x128xf32, #tpu.memory_space<vmem>> -> memref<1x128x128xf32, #tpu.memory_space<vmem>>
      %dma_wait3A_224 = tpu.memref_squeeze %dma_wait3A_223 : memref<1x128x128xf32, #tpu.memory_space<vmem>> -> memref<128x128xf32, #tpu.memory_space<vmem>>
      %dma_wait3A_225 = arith.constant 0 : i32
      %dma_wait3A_226 = arith.constant 0 : i32
      %dma_wait3A_227 = tpu.memref_slice %arg5[%dma_wait3A_225, %dma_wait3A_226] : memref<10240x128xf32, #tpu.memory_space<hbm>> -> memref<128x128xf32, #tpu.memory_space<hbm>>
      tpu.wait_dma2 semaphore(%dma_wait3A_220 : memref<!tpu.dma_semaphore, #tpu.memory_space<semaphore_mem>>) src(%dma_wait3A_227 : memref<128x128xf32, #tpu.memory_space<hbm>>) dst(%dma_wait3A_224 : memref<128x128xf32, #tpu.memory_space<vmem>>)
      %add3A_228 = arith.constant 1 : i32
      %add3A_229 = arith.addi %mul3A_170, %add3A_228 : i32
      %run_scoped3A_230 = arith.constant 1 : i32
      "tpu.region"() ({
        %run_scoped3A_249 = tpu.sem_alloc : memref<!tpu.dma_semaphore, #tpu.memory_space<semaphore_mem>>
        %dma_start3A_250 = arith.constant 0 : i32
        %dma_start3A_251 = arith.constant 0 : i32
        %dma_start3A_252 = tpu.memref_slice %arg10[%run_scoped3A_230, %dma_start3A_250, %dma_start3A_251] : memref<2x128x128xf32, #tpu.memory_space<vmem>> -> memref<1x128x128xf32, #tpu.memory_space<vmem>>
        %dma_start3A_253 = tpu.memref_squeeze %dma_start3A_252 : memref<1x128x128xf32, #tpu.memory_space<vmem>> -> memref<128x128xf32, #tpu.memory_space<vmem>>
        %dma_start3A_254 = arith.constant 0 : i32
        %dma_start3A_255 = tpu.memref_slice %arg9[%add3A_229, %dma_start3A_254] : memref<40x128xi32, #tpu.memory_space<vmem>> -> memref<1x128xi32, #tpu.memory_space<vmem>>
        %dma_start3A_256 = tpu.memref_squeeze %dma_start3A_255 : memref<1x128xi32, #tpu.memory_space<vmem>> -> memref<128xi32, #tpu.memory_space<vmem>>
        %dma_start3A_257 = arith.constant 0 : i32
        %dma_start3A_258 = arith.constant 0 : i32
        %dma_start3A_259 = tpu.memref_slice %arg11[%dma_start3A_257, %dma_start3A_258] : memref<10240x128xf32, #tpu.memory_space<vmem_shared>> -> memref<10240x128xf32, #tpu.memory_space<vmem_shared>>
        tpu.enqueue_indirect_dma source(%dma_start3A_253 : memref<128x128xf32, #tpu.memory_space<vmem>>) target(%dma_start3A_259 : memref<10240x128xf32, #tpu.memory_space<vmem_shared>>) offsets(%dma_start3A_256 : memref<128xi32, #tpu.memory_space<vmem>>) semaphore(%run_scoped3A_249 : memref<!tpu.dma_semaphore, #tpu.memory_space<semaphore_mem>>) {add = true}
        %dma_wait3A_260 = arith.constant 0 : i32
        %dma_wait3A_261 = arith.constant 0 : i32
        %dma_wait3A_262 = tpu.memref_slice %arg10[%run_scoped3A_230, %dma_wait3A_260, %dma_wait3A_261] : memref<2x128x128xf32, #tpu.memory_space<vmem>> -> memref<1x128x128xf32, #tpu.memory_space<vmem>>
        %dma_wait3A_263 = tpu.memref_squeeze %dma_wait3A_262 : memref<1x128x128xf32, #tpu.memory_space<vmem>> -> memref<128x128xf32, #tpu.memory_space<vmem>>
        %dma_wait3A_264 = arith.constant 0 : i32
        %dma_wait3A_265 = tpu.memref_slice %arg9[%add3A_229, %dma_wait3A_264] : memref<40x128xi32, #tpu.memory_space<vmem>> -> memref<1x128xi32, #tpu.memory_space<vmem>>
        %dma_wait3A_266 = tpu.memref_squeeze %dma_wait3A_265 : memref<1x128xi32, #tpu.memory_space<vmem>> -> memref<128xi32, #tpu.memory_space<vmem>>
        %dma_wait3A_267 = arith.constant 0 : i32
        %dma_wait3A_268 = arith.constant 0 : i32
        %dma_wait3A_269 = tpu.memref_slice %arg11[%dma_wait3A_267, %dma_wait3A_268] : memref<10240x128xf32, #tpu.memory_space<vmem_shared>> -> memref<10240x128xf32, #tpu.memory_space<vmem_shared>>
        tpu.wait_indirect_dma semaphore(%run_scoped3A_249 : memref<!tpu.dma_semaphore, #tpu.memory_space<semaphore_mem>>) src(%dma_wait3A_263 : memref<128x128xf32, #tpu.memory_space<vmem>>) dst(%dma_wait3A_269 : memref<10240x128xf32, #tpu.memory_space<vmem_shared>>)
        tpu.yield
      }) : () -> ()
      %add3A_231 = arith.constant 2 : i32
      %add3A_232 = arith.addi %mul3A_170, %add3A_231 : i32
      %add3A_233 = arith.constant 1 : i32
      %add3A_234 = arith.addi %add3A_232, %add3A_233 : i32
      %dma_start3A_235 = arith.constant 1 : i32
      %dma_start3A_236 = arith.constant 1 : i32
      %dma_start3A_237 = arith.constant 0 : i32
      %dma_start3A_238 = arith.constant 0 : i32
      %dma_start3A_239 = tpu.memref_slice %arg10[%dma_start3A_235, %dma_start3A_237, %dma_start3A_238] : memref<2x128x128xf32, #tpu.memory_space<vmem>> -> memref<1x128x128xf32, #tpu.memory_space<vmem>>
      %dma_start3A_240 = tpu.memref_squeeze %dma_start3A_239 : memref<1x128x128xf32, #tpu.memory_space<vmem>> -> memref<128x128xf32, #tpu.memory_space<vmem>>
      %dma_start3A_241 = arith.constant 0 : i32
      %dma_start3A_242 = tpu.memref_slice %arg8[%add3A_234, %dma_start3A_241] : memref<40x128xi32, #tpu.memory_space<vmem>> -> memref<1x128xi32, #tpu.memory_space<vmem>>
      %dma_start3A_243 = tpu.memref_squeeze %dma_start3A_242 : memref<1x128xi32, #tpu.memory_space<vmem>> -> memref<128xi32, #tpu.memory_space<vmem>>
      %dma_start3A_244 = arith.constant 0 : i32
      %dma_start3A_245 = arith.constant 0 : i32
      %dma_start3A_246 = tpu.memref_slice %arg2[%dma_start3A_244, %dma_start3A_245] : memref<10000x128xf32, #tpu.memory_space<hbm>> -> memref<10000x128xf32, #tpu.memory_space<hbm>>
      %dma_start3A_247 = tpu.memref_slice %arg12[%dma_start3A_236] : memref<2x!tpu.dma_semaphore, #tpu.memory_space<semaphore_mem>> -> memref<1x!tpu.dma_semaphore, #tpu.memory_space<semaphore_mem>>
      %dma_start3A_248 = tpu.memref_squeeze %dma_start3A_247 : memref<1x!tpu.dma_semaphore, #tpu.memory_space<semaphore_mem>> -> memref<!tpu.dma_semaphore, #tpu.memory_space<semaphore_mem>>
      tpu.enqueue_indirect_dma source(%dma_start3A_246 : memref<10000x128xf32, #tpu.memory_space<hbm>>) target(%dma_start3A_240 : memref<128x128xf32, #tpu.memory_space<vmem>>) offsets(%dma_start3A_243 : memref<128xi32, #tpu.memory_space<vmem>>) semaphore(%dma_start3A_248 : memref<!tpu.dma_semaphore, #tpu.memory_space<semaphore_mem>>)
    }
    %scan3A_40 = arith.constant 19 : i32
    %dma_wait3A = arith.constant 0 : i32
    %dma_wait3A_41 = arith.constant 0 : i32
    %dma_wait3A_42 = arith.constant 0 : i32
    %dma_wait3A_43 = arith.constant 0 : i32
    %dma_wait3A_44 = tpu.memref_slice %arg10[%dma_wait3A, %dma_wait3A_42, %dma_wait3A_43] : memref<2x128x128xf32, #tpu.memory_space<vmem>> -> memref<1x128x128xf32, #tpu.memory_space<vmem>>
    %dma_wait3A_45 = tpu.memref_squeeze %dma_wait3A_44 : memref<1x128x128xf32, #tpu.memory_space<vmem>> -> memref<128x128xf32, #tpu.memory_space<vmem>>
    %dma_wait3A_46 = arith.constant 0 : i32
    %dma_wait3A_47 = arith.constant 0 : i32
    %dma_wait3A_48 = tpu.memref_slice %arg5[%dma_wait3A_46, %dma_wait3A_47] : memref<10240x128xf32, #tpu.memory_space<hbm>> -> memref<128x128xf32, #tpu.memory_space<hbm>>
    %dma_wait3A_49 = tpu.memref_slice %arg12[%dma_wait3A_41] : memref<2x!tpu.dma_semaphore, #tpu.memory_space<semaphore_mem>> -> memref<1x!tpu.dma_semaphore, #tpu.memory_space<semaphore_mem>>
    %dma_wait3A_50 = tpu.memref_squeeze %dma_wait3A_49 : memref<1x!tpu.dma_semaphore, #tpu.memory_space<semaphore_mem>> -> memref<!tpu.dma_semaphore, #tpu.memory_space<semaphore_mem>>
    %dma_wait3A_51 = arith.constant 0 : i32
    %dma_wait3A_52 = arith.constant 0 : i32
    %dma_wait3A_53 = tpu.memref_slice %arg10[%dma_wait3A, %dma_wait3A_51, %dma_wait3A_52] : memref<2x128x128xf32, #tpu.memory_space<vmem>> -> memref<1x128x128xf32, #tpu.memory_space<vmem>>
    %dma_wait3A_54 = tpu.memref_squeeze %dma_wait3A_53 : memref<1x128x128xf32, #tpu.memory_space<vmem>> -> memref<128x128xf32, #tpu.memory_space<vmem>>
    %dma_wait3A_55 = arith.constant 0 : i32
    %dma_wait3A_56 = arith.constant 0 : i32
    %dma_wait3A_57 = tpu.memref_slice %arg5[%dma_wait3A_55, %dma_wait3A_56] : memref<10240x128xf32, #tpu.memory_space<hbm>> -> memref<128x128xf32, #tpu.memory_space<hbm>>
    tpu.wait_dma2 semaphore(%dma_wait3A_50 : memref<!tpu.dma_semaphore, #tpu.memory_space<semaphore_mem>>) src(%dma_wait3A_57 : memref<128x128xf32, #tpu.memory_space<hbm>>) dst(%dma_wait3A_54 : memref<128x128xf32, #tpu.memory_space<vmem>>)
    %run_scoped3A = arith.constant 0 : i32
    %run_scoped3A_58 = arith.constant 38 : i32
    "tpu.region"() ({
      %run_scoped3A_168 = tpu.sem_alloc : memref<!tpu.dma_semaphore, #tpu.memory_space<semaphore_mem>>
      %dma_start3A_169 = arith.constant 0 : i32
      %dma_start3A_170 = arith.constant 0 : i32
      %dma_start3A_171 = tpu.memref_slice %arg10[%run_scoped3A, %dma_start3A_169, %dma_start3A_170] : memref<2x128x128xf32, #tpu.memory_space<vmem>> -> memref<1x128x128xf32, #tpu.memory_space<vmem>>
      %dma_start3A_172 = tpu.memref_squeeze %dma_start3A_171 : memref<1x128x128xf32, #tpu.memory_space<vmem>> -> memref<128x128xf32, #tpu.memory_space<vmem>>
      %dma_start3A_173 = arith.constant 0 : i32
      %dma_start3A_174 = tpu.memref_slice %arg9[%run_scoped3A_58, %dma_start3A_173] : memref<40x128xi32, #tpu.memory_space<vmem>> -> memref<1x128xi32, #tpu.memory_space<vmem>>
      %dma_start3A_175 = tpu.memref_squeeze %dma_start3A_174 : memref<1x128xi32, #tpu.memory_space<vmem>> -> memref<128xi32, #tpu.memory_space<vmem>>
      %dma_start3A_176 = arith.constant 0 : i32
      %dma_start3A_177 = arith.constant 0 : i32
      %dma_start3A_178 = tpu.memref_slice %arg11[%dma_start3A_176, %dma_start3A_177] : memref<10240x128xf32, #tpu.memory_space<vmem_shared>> -> memref<10240x128xf32, #tpu.memory_space<vmem_shared>>
      tpu.enqueue_indirect_dma source(%dma_start3A_172 : memref<128x128xf32, #tpu.memory_space<vmem>>) target(%dma_start3A_178 : memref<10240x128xf32, #tpu.memory_space<vmem_shared>>) offsets(%dma_start3A_175 : memref<128xi32, #tpu.memory_space<vmem>>) semaphore(%run_scoped3A_168 : memref<!tpu.dma_semaphore, #tpu.memory_space<semaphore_mem>>) {add = true}
      %dma_wait3A_179 = arith.constant 0 : i32
      %dma_wait3A_180 = arith.constant 0 : i32
      %dma_wait3A_181 = tpu.memref_slice %arg10[%run_scoped3A, %dma_wait3A_179, %dma_wait3A_180] : memref<2x128x128xf32, #tpu.memory_space<vmem>> -> memref<1x128x128xf32, #tpu.memory_space<vmem>>
      %dma_wait3A_182 = tpu.memref_squeeze %dma_wait3A_181 : memref<1x128x128xf32, #tpu.memory_space<vmem>> -> memref<128x128xf32, #tpu.memory_space<vmem>>
      %dma_wait3A_183 = arith.constant 0 : i32
      %dma_wait3A_184 = tpu.memref_slice %arg9[%run_scoped3A_58, %dma_wait3A_183] : memref<40x128xi32, #tpu.memory_space<vmem>> -> memref<1x128xi32, #tpu.memory_space<vmem>>
      %dma_wait3A_185 = tpu.memref_squeeze %dma_wait3A_184 : memref<1x128xi32, #tpu.memory_space<vmem>> -> memref<128xi32, #tpu.memory_space<vmem>>
      %dma_wait3A_186 = arith.constant 0 : i32
      %dma_wait3A_187 = arith.constant 0 : i32
      %dma_wait3A_188 = tpu.memref_slice %arg11[%dma_wait3A_186, %dma_wait3A_187] : memref<10240x128xf32, #tpu.memory_space<vmem_shared>> -> memref<10240x128xf32, #tpu.memory_space<vmem_shared>>
      tpu.wait_indirect_dma semaphore(%run_scoped3A_168 : memref<!tpu.dma_semaphore, #tpu.memory_space<semaphore_mem>>) src(%dma_wait3A_182 : memref<128x128xf32, #tpu.memory_space<vmem>>) dst(%dma_wait3A_188 : memref<10240x128xf32, #tpu.memory_space<vmem_shared>>)
      tpu.yield
    }) : () -> ()
    %dma_wait3A_59 = arith.constant 1 : i32
    %dma_wait3A_60 = arith.constant 1 : i32
    %dma_wait3A_61 = arith.constant 0 : i32
    %dma_wait3A_62 = arith.constant 0 : i32
    %dma_wait3A_63 = tpu.memref_slice %arg10[%dma_wait3A_59, %dma_wait3A_61, %dma_wait3A_62] : memref<2x128x128xf32, #tpu.memory_space<vmem>> -> memref<1x128x128xf32, #tpu.memory_space<vmem>>
    %dma_wait3A_64 = tpu.memref_squeeze %dma_wait3A_63 : memref<1x128x128xf32, #tpu.memory_space<vmem>> -> memref<128x128xf32, #tpu.memory_space<vmem>>
    %dma_wait3A_65 = arith.constant 0 : i32
    %dma_wait3A_66 = arith.constant 0 : i32
    %dma_wait3A_67 = tpu.memref_slice %arg5[%dma_wait3A_65, %dma_wait3A_66] : memref<10240x128xf32, #tpu.memory_space<hbm>> -> memref<128x128xf32, #tpu.memory_space<hbm>>
    %dma_wait3A_68 = tpu.memref_slice %arg12[%dma_wait3A_60] : memref<2x!tpu.dma_semaphore, #tpu.memory_space<semaphore_mem>> -> memref<1x!tpu.dma_semaphore, #tpu.memory_space<semaphore_mem>>
    %dma_wait3A_69 = tpu.memref_squeeze %dma_wait3A_68 : memref<1x!tpu.dma_semaphore, #tpu.memory_space<semaphore_mem>> -> memref<!tpu.dma_semaphore, #tpu.memory_space<semaphore_mem>>
    %dma_wait3A_70 = arith.constant 0 : i32
    %dma_wait3A_71 = arith.constant 0 : i32
    %dma_wait3A_72 = tpu.memref_slice %arg10[%dma_wait3A_59, %dma_wait3A_70, %dma_wait3A_71] : memref<2x128x128xf32, #tpu.memory_space<vmem>> -> memref<1x128x128xf32, #tpu.memory_space<vmem>>
    %dma_wait3A_73 = tpu.memref_squeeze %dma_wait3A_72 : memref<1x128x128xf32, #tpu.memory_space<vmem>> -> memref<128x128xf32, #tpu.memory_space<vmem>>
    %dma_wait3A_74 = arith.constant 0 : i32
    %dma_wait3A_75 = arith.constant 0 : i32
    %dma_wait3A_76 = tpu.memref_slice %arg5[%dma_wait3A_74, %dma_wait3A_75] : memref<10240x128xf32, #tpu.memory_space<hbm>> -> memref<128x128xf32, #tpu.memory_space<hbm>>
    tpu.wait_dma2 semaphore(%dma_wait3A_69 : memref<!tpu.dma_semaphore, #tpu.memory_space<semaphore_mem>>) src(%dma_wait3A_76 : memref<128x128xf32, #tpu.memory_space<hbm>>) dst(%dma_wait3A_73 : memref<128x128xf32, #tpu.memory_space<vmem>>)
    %run_scoped3A_77 = arith.constant 1 : i32
    %run_scoped3A_78 = arith.constant 39 : i32
    "tpu.region"() ({
      %run_scoped3A_168 = tpu.sem_alloc : memref<!tpu.dma_semaphore, #tpu.memory_space<semaphore_mem>>
      %dma_start3A_169 = arith.constant 0 : i32
      %dma_start3A_170 = arith.constant 0 : i32
      %dma_start3A_171 = tpu.memref_slice %arg10[%run_scoped3A_77, %dma_start3A_169, %dma_start3A_170] : memref<2x128x128xf32, #tpu.memory_space<vmem>> -> memref<1x128x128xf32, #tpu.memory_space<vmem>>
      %dma_start3A_172 = tpu.memref_squeeze %dma_start3A_171 : memref<1x128x128xf32, #tpu.memory_space<vmem>> -> memref<128x128xf32, #tpu.memory_space<vmem>>
      %dma_start3A_173 = arith.constant 0 : i32
      %dma_start3A_174 = tpu.memref_slice %arg9[%run_scoped3A_78, %dma_start3A_173] : memref<40x128xi32, #tpu.memory_space<vmem>> -> memref<1x128xi32, #tpu.memory_space<vmem>>
      %dma_start3A_175 = tpu.memref_squeeze %dma_start3A_174 : memref<1x128xi32, #tpu.memory_space<vmem>> -> memref<128xi32, #tpu.memory_space<vmem>>
      %dma_start3A_176 = arith.constant 0 : i32
      %dma_start3A_177 = arith.constant 0 : i32
      %dma_start3A_178 = tpu.memref_slice %arg11[%dma_start3A_176, %dma_start3A_177] : memref<10240x128xf32, #tpu.memory_space<vmem_shared>> -> memref<10240x128xf32, #tpu.memory_space<vmem_shared>>
      tpu.enqueue_indirect_dma source(%dma_start3A_172 : memref<128x128xf32, #tpu.memory_space<vmem>>) target(%dma_start3A_178 : memref<10240x128xf32, #tpu.memory_space<vmem_shared>>) offsets(%dma_start3A_175 : memref<128xi32, #tpu.memory_space<vmem>>) semaphore(%run_scoped3A_168 : memref<!tpu.dma_semaphore, #tpu.memory_space<semaphore_mem>>) {add = true}
      %dma_wait3A_179 = arith.constant 0 : i32
      %dma_wait3A_180 = arith.constant 0 : i32
      %dma_wait3A_181 = tpu.memref_slice %arg10[%run_scoped3A_77, %dma_wait3A_179, %dma_wait3A_180] : memref<2x128x128xf32, #tpu.memory_space<vmem>> -> memref<1x128x128xf32, #tpu.memory_space<vmem>>
      %dma_wait3A_182 = tpu.memref_squeeze %dma_wait3A_181 : memref<1x128x128xf32, #tpu.memory_space<vmem>> -> memref<128x128xf32, #tpu.memory_space<vmem>>
      %dma_wait3A_183 = arith.constant 0 : i32
      %dma_wait3A_184 = tpu.memref_slice %arg9[%run_scoped3A_78, %dma_wait3A_183] : memref<40x128xi32, #tpu.memory_space<vmem>> -> memref<1x128xi32, #tpu.memory_space<vmem>>
      %dma_wait3A_185 = tpu.memref_squeeze %dma_wait3A_184 : memref<1x128xi32, #tpu.memory_space<vmem>> -> memref<128xi32, #tpu.memory_space<vmem>>
      %dma_wait3A_186 = arith.constant 0 : i32
      %dma_wait3A_187 = arith.constant 0 : i32
      %dma_wait3A_188 = tpu.memref_slice %arg11[%dma_wait3A_186, %dma_wait3A_187] : memref<10240x128xf32, #tpu.memory_space<vmem_shared>> -> memref<10240x128xf32, #tpu.memory_space<vmem_shared>>
      tpu.wait_indirect_dma semaphore(%run_scoped3A_168 : memref<!tpu.dma_semaphore, #tpu.memory_space<semaphore_mem>>) src(%dma_wait3A_182 : memref<128x128xf32, #tpu.memory_space<vmem>>) dst(%dma_wait3A_188 : memref<10240x128xf32, #tpu.memory_space<vmem_shared>>)
      tpu.yield
    }) : () -> ()
    %mul3A_79 = arith.constant 80 : i32
    %mul3A_80 = arith.muli %add3A, %mul3A_79 : i32
    %add3A_81 = arith.constant 40 : i32
    %add3A_82 = arith.addi %mul3A_80, %add3A_81 : i32
    %multiple_of3A_83 = tpu.assume_multiple %add3A_82, 8 : i32
    "tpu.region"() ({
      %run_scoped3A_168 = tpu.sem_alloc : memref<!tpu.dma_semaphore, #tpu.memory_space<semaphore_mem>>
      %dma_start3A_169 = arith.constant 0 : i32
      %dma_start3A_170 = tpu.memref_slice %arg3[%multiple_of3A_83, %dma_start3A_169] : memref<2560x128xi32, #tpu.memory_space<hbm>> -> memref<40x128xi32, #tpu.memory_space<hbm>>
      %dma_start3A_171 = arith.constant 0 : i32
      %dma_start3A_172 = tpu.memref_slice %arg3[%multiple_of3A_83, %dma_start3A_171] : memref<2560x128xi32, #tpu.memory_space<hbm>> -> memref<40x128xi32, #tpu.memory_space<hbm>>
      tpu.enqueue_dma source(%dma_start3A_172 : memref<40x128xi32, #tpu.memory_space<hbm>>) target(%arg8 : memref<40x128xi32, #tpu.memory_space<vmem>>) target_semaphore(%run_scoped3A_168 : memref<!tpu.dma_semaphore, #tpu.memory_space<semaphore_mem>>)
      %dma_wait3A_173 = arith.constant 0 : i32
      %dma_wait3A_174 = tpu.memref_slice %arg3[%multiple_of3A_83, %dma_wait3A_173] : memref<2560x128xi32, #tpu.memory_space<hbm>> -> memref<40x128xi32, #tpu.memory_space<hbm>>
      %dma_wait3A_175 = arith.constant 0 : i32
      %dma_wait3A_176 = tpu.memref_slice %arg3[%multiple_of3A_83, %dma_wait3A_175] : memref<2560x128xi32, #tpu.memory_space<hbm>> -> memref<40x128xi32, #tpu.memory_space<hbm>>
      tpu.wait_dma2 semaphore(%run_scoped3A_168 : memref<!tpu.dma_semaphore, #tpu.memory_space<semaphore_mem>>) src(%dma_wait3A_176 : memref<40x128xi32, #tpu.memory_space<hbm>>) dst(%arg8 : memref<40x128xi32, #tpu.memory_space<vmem>>)
      tpu.yield
    }) : () -> ()
    "tpu.region"() ({
      %run_scoped3A_168 = tpu.sem_alloc : memref<!tpu.dma_semaphore, #tpu.memory_space<semaphore_mem>>
      %dma_start3A_169 = arith.constant 0 : i32
      %dma_start3A_170 = tpu.memref_slice %arg4[%multiple_of3A_83, %dma_start3A_169] : memref<2560x128xi32, #tpu.memory_space<hbm>> -> memref<40x128xi32, #tpu.memory_space<hbm>>
      %dma_start3A_171 = arith.constant 0 : i32
      %dma_start3A_172 = tpu.memref_slice %arg4[%multiple_of3A_83, %dma_start3A_171] : memref<2560x128xi32, #tpu.memory_space<hbm>> -> memref<40x128xi32, #tpu.memory_space<hbm>>
      tpu.enqueue_dma source(%dma_start3A_172 : memref<40x128xi32, #tpu.memory_space<hbm>>) target(%arg9 : memref<40x128xi32, #tpu.memory_space<vmem>>) target_semaphore(%run_scoped3A_168 : memref<!tpu.dma_semaphore, #tpu.memory_space<semaphore_mem>>)
      %dma_wait3A_173 = arith.constant 0 : i32
      %dma_wait3A_174 = tpu.memref_slice %arg4[%multiple_of3A_83, %dma_wait3A_173] : memref<2560x128xi32, #tpu.memory_space<hbm>> -> memref<40x128xi32, #tpu.memory_space<hbm>>
      %dma_wait3A_175 = arith.constant 0 : i32
      %dma_wait3A_176 = tpu.memref_slice %arg4[%multiple_of3A_83, %dma_wait3A_175] : memref<2560x128xi32, #tpu.memory_space<hbm>> -> memref<40x128xi32, #tpu.memory_space<hbm>>
      tpu.wait_dma2 semaphore(%run_scoped3A_168 : memref<!tpu.dma_semaphore, #tpu.memory_space<semaphore_mem>>) src(%dma_wait3A_176 : memref<40x128xi32, #tpu.memory_space<hbm>>) dst(%arg9 : memref<40x128xi32, #tpu.memory_space<vmem>>)
      tpu.yield
    }) : () -> ()
    %dma_start3A_84 = arith.constant 0 : i32
    %dma_start3A_85 = arith.constant 0 : i32
    %dma_start3A_86 = arith.constant 0 : i32
    %dma_start3A_87 = arith.constant 0 : i32
    %dma_start3A_88 = arith.constant 0 : i32
    %dma_start3A_89 = tpu.memref_slice %arg10[%dma_start3A_85, %dma_start3A_87, %dma_start3A_88] : memref<2x128x128xf32, #tpu.memory_space<vmem>> -> memref<1x128x128xf32, #tpu.memory_space<vmem>>
    %dma_start3A_90 = tpu.memref_squeeze %dma_start3A_89 : memref<1x128x128xf32, #tpu.memory_space<vmem>> -> memref<128x128xf32, #tpu.memory_space<vmem>>
    %dma_start3A_91 = arith.constant 0 : i32
    %dma_start3A_92 = tpu.memref_slice %arg8[%dma_start3A_84, %dma_start3A_91] : memref<40x128xi32, #tpu.memory_space<vmem>> -> memref<1x128xi32, #tpu.memory_space<vmem>>
    %dma_start3A_93 = tpu.memref_squeeze %dma_start3A_92 : memref<1x128xi32, #tpu.memory_space<vmem>> -> memref<128xi32, #tpu.memory_space<vmem>>
    %dma_start3A_94 = arith.constant 0 : i32
    %dma_start3A_95 = arith.constant 0 : i32
    %dma_start3A_96 = tpu.memref_slice %arg2[%dma_start3A_94, %dma_start3A_95] : memref<10000x128xf32, #tpu.memory_space<hbm>> -> memref<10000x128xf32, #tpu.memory_space<hbm>>
    %dma_start3A_97 = tpu.memref_slice %arg12[%dma_start3A_86] : memref<2x!tpu.dma_semaphore, #tpu.memory_space<semaphore_mem>> -> memref<1x!tpu.dma_semaphore, #tpu.memory_space<semaphore_mem>>
    %dma_start3A_98 = tpu.memref_squeeze %dma_start3A_97 : memref<1x!tpu.dma_semaphore, #tpu.memory_space<semaphore_mem>> -> memref<!tpu.dma_semaphore, #tpu.memory_space<semaphore_mem>>
    tpu.enqueue_indirect_dma source(%dma_start3A_96 : memref<10000x128xf32, #tpu.memory_space<hbm>>) target(%dma_start3A_90 : memref<128x128xf32, #tpu.memory_space<vmem>>) offsets(%dma_start3A_93 : memref<128xi32, #tpu.memory_space<vmem>>) semaphore(%dma_start3A_98 : memref<!tpu.dma_semaphore, #tpu.memory_space<semaphore_mem>>)
    %dma_start3A_99 = arith.constant 1 : i32
    %dma_start3A_100 = arith.constant 1 : i32
    %dma_start3A_101 = arith.constant 1 : i32
    %dma_start3A_102 = arith.constant 0 : i32
    %dma_start3A_103 = arith.constant 0 : i32
    %dma_start3A_104 = tpu.memref_slice %arg10[%dma_start3A_100, %dma_start3A_102, %dma_start3A_103] : memref<2x128x128xf32, #tpu.memory_space<vmem>> -> memref<1x128x128xf32, #tpu.memory_space<vmem>>
    %dma_start3A_105 = tpu.memref_squeeze %dma_start3A_104 : memref<1x128x128xf32, #tpu.memory_space<vmem>> -> memref<128x128xf32, #tpu.memory_space<vmem>>
    %dma_start3A_106 = arith.constant 0 : i32
    %dma_start3A_107 = tpu.memref_slice %arg8[%dma_start3A_99, %dma_start3A_106] : memref<40x128xi32, #tpu.memory_space<vmem>> -> memref<1x128xi32, #tpu.memory_space<vmem>>
    %dma_start3A_108 = tpu.memref_squeeze %dma_start3A_107 : memref<1x128xi32, #tpu.memory_space<vmem>> -> memref<128xi32, #tpu.memory_space<vmem>>
    %dma_start3A_109 = arith.constant 0 : i32
    %dma_start3A_110 = arith.constant 0 : i32
    %dma_start3A_111 = tpu.memref_slice %arg2[%dma_start3A_109, %dma_start3A_110] : memref<10000x128xf32, #tpu.memory_space<hbm>> -> memref<10000x128xf32, #tpu.memory_space<hbm>>
    %dma_start3A_112 = tpu.memref_slice %arg12[%dma_start3A_101] : memref<2x!tpu.dma_semaphore, #tpu.memory_space<semaphore_mem>> -> memref<1x!tpu.dma_semaphore, #tpu.memory_space<semaphore_mem>>
    %dma_start3A_113 = tpu.memref_squeeze %dma_start3A_112 : memref<1x!tpu.dma_semaphore, #tpu.memory_space<semaphore_mem>> -> memref<!tpu.dma_semaphore, #tpu.memory_space<semaphore_mem>>
    tpu.enqueue_indirect_dma source(%dma_start3A_111 : memref<10000x128xf32, #tpu.memory_space<hbm>>) target(%dma_start3A_105 : memref<128x128xf32, #tpu.memory_space<vmem>>) offsets(%dma_start3A_108 : memref<128xi32, #tpu.memory_space<vmem>>) semaphore(%dma_start3A_113 : memref<!tpu.dma_semaphore, #tpu.memory_space<semaphore_mem>>)
    %scan3A_114 = arith.constant 0 : i32
    %scan3A_115 = arith.constant 0 : i32
    %scan3A_116 = arith.constant 19 : i32
    %scan3A_117 = arith.addi %scan3A_115, %scan3A_116 : i32
    %scan3A_118 = arith.constant 1 : i32
    scf.for %scan3A_168 = %scan3A_115 to %scan3A_117 step %scan3A_118  : i32 {
      %mul3A_169 = arith.constant 2 : i32
      %mul3A_170 = arith.muli %scan3A_168, %mul3A_169 : i32
      %dma_wait3A_171 = arith.constant 0 : i32
      %dma_wait3A_172 = arith.constant 0 : i32
      %dma_wait3A_173 = arith.constant 0 : i32
      %dma_wait3A_174 = arith.constant 0 : i32
      %dma_wait3A_175 = tpu.memref_slice %arg10[%dma_wait3A_171, %dma_wait3A_173, %dma_wait3A_174] : memref<2x128x128xf32, #tpu.memory_space<vmem>> -> memref<1x128x128xf32, #tpu.memory_space<vmem>>
      %dma_wait3A_176 = tpu.memref_squeeze %dma_wait3A_175 : memref<1x128x128xf32, #tpu.memory_space<vmem>> -> memref<128x128xf32, #tpu.memory_space<vmem>>
      %dma_wait3A_177 = arith.constant 0 : i32
      %dma_wait3A_178 = arith.constant 0 : i32
      %dma_wait3A_179 = tpu.memref_slice %arg5[%dma_wait3A_177, %dma_wait3A_178] : memref<10240x128xf32, #tpu.memory_space<hbm>> -> memref<128x128xf32, #tpu.memory_space<hbm>>
      %dma_wait3A_180 = tpu.memref_slice %arg12[%dma_wait3A_172] : memref<2x!tpu.dma_semaphore, #tpu.memory_space<semaphore_mem>> -> memref<1x!tpu.dma_semaphore, #tpu.memory_space<semaphore_mem>>
      %dma_wait3A_181 = tpu.memref_squeeze %dma_wait3A_180 : memref<1x!tpu.dma_semaphore, #tpu.memory_space<semaphore_mem>> -> memref<!tpu.dma_semaphore, #tpu.memory_space<semaphore_mem>>
      %dma_wait3A_182 = arith.constant 0 : i32
      %dma_wait3A_183 = arith.constant 0 : i32
      %dma_wait3A_184 = tpu.memref_slice %arg10[%dma_wait3A_171, %dma_wait3A_182, %dma_wait3A_183] : memref<2x128x128xf32, #tpu.memory_space<vmem>> -> memref<1x128x128xf32, #tpu.memory_space<vmem>>
      %dma_wait3A_185 = tpu.memref_squeeze %dma_wait3A_184 : memref<1x128x128xf32, #tpu.memory_space<vmem>> -> memref<128x128xf32, #tpu.memory_space<vmem>>
      %dma_wait3A_186 = arith.constant 0 : i32
      %dma_wait3A_187 = arith.constant 0 : i32
      %dma_wait3A_188 = tpu.memref_slice %arg5[%dma_wait3A_186, %dma_wait3A_187] : memref<10240x128xf32, #tpu.memory_space<hbm>> -> memref<128x128xf32, #tpu.memory_space<hbm>>
      tpu.wait_dma2 semaphore(%dma_wait3A_181 : memref<!tpu.dma_semaphore, #tpu.memory_space<semaphore_mem>>) src(%dma_wait3A_188 : memref<128x128xf32, #tpu.memory_space<hbm>>) dst(%dma_wait3A_185 : memref<128x128xf32, #tpu.memory_space<vmem>>)
      %add3A_189 = arith.constant 0 : i32
      %add3A_190 = arith.addi %mul3A_170, %add3A_189 : i32
      %run_scoped3A_191 = arith.constant 0 : i32
      "tpu.region"() ({
        %run_scoped3A_249 = tpu.sem_alloc : memref<!tpu.dma_semaphore, #tpu.memory_space<semaphore_mem>>
        %dma_start3A_250 = arith.constant 0 : i32
        %dma_start3A_251 = arith.constant 0 : i32
        %dma_start3A_252 = tpu.memref_slice %arg10[%run_scoped3A_191, %dma_start3A_250, %dma_start3A_251] : memref<2x128x128xf32, #tpu.memory_space<vmem>> -> memref<1x128x128xf32, #tpu.memory_space<vmem>>
        %dma_start3A_253 = tpu.memref_squeeze %dma_start3A_252 : memref<1x128x128xf32, #tpu.memory_space<vmem>> -> memref<128x128xf32, #tpu.memory_space<vmem>>
        %dma_start3A_254 = arith.constant 0 : i32
        %dma_start3A_255 = tpu.memref_slice %arg9[%add3A_190, %dma_start3A_254] : memref<40x128xi32, #tpu.memory_space<vmem>> -> memref<1x128xi32, #tpu.memory_space<vmem>>
        %dma_start3A_256 = tpu.memref_squeeze %dma_start3A_255 : memref<1x128xi32, #tpu.memory_space<vmem>> -> memref<128xi32, #tpu.memory_space<vmem>>
        %dma_start3A_257 = arith.constant 0 : i32
        %dma_start3A_258 = arith.constant 0 : i32
        %dma_start3A_259 = tpu.memref_slice %arg11[%dma_start3A_257, %dma_start3A_258] : memref<10240x128xf32, #tpu.memory_space<vmem_shared>> -> memref<10240x128xf32, #tpu.memory_space<vmem_shared>>
        tpu.enqueue_indirect_dma source(%dma_start3A_253 : memref<128x128xf32, #tpu.memory_space<vmem>>) target(%dma_start3A_259 : memref<10240x128xf32, #tpu.memory_space<vmem_shared>>) offsets(%dma_start3A_256 : memref<128xi32, #tpu.memory_space<vmem>>) semaphore(%run_scoped3A_249 : memref<!tpu.dma_semaphore, #tpu.memory_space<semaphore_mem>>) {add = true}
        %dma_wait3A_260 = arith.constant 0 : i32
        %dma_wait3A_261 = arith.constant 0 : i32
        %dma_wait3A_262 = tpu.memref_slice %arg10[%run_scoped3A_191, %dma_wait3A_260, %dma_wait3A_261] : memref<2x128x128xf32, #tpu.memory_space<vmem>> -> memref<1x128x128xf32, #tpu.memory_space<vmem>>
        %dma_wait3A_263 = tpu.memref_squeeze %dma_wait3A_262 : memref<1x128x128xf32, #tpu.memory_space<vmem>> -> memref<128x128xf32, #tpu.memory_space<vmem>>
        %dma_wait3A_264 = arith.constant 0 : i32
        %dma_wait3A_265 = tpu.memref_slice %arg9[%add3A_190, %dma_wait3A_264] : memref<40x128xi32, #tpu.memory_space<vmem>> -> memref<1x128xi32, #tpu.memory_space<vmem>>
        %dma_wait3A_266 = tpu.memref_squeeze %dma_wait3A_265 : memref<1x128xi32, #tpu.memory_space<vmem>> -> memref<128xi32, #tpu.memory_space<vmem>>
        %dma_wait3A_267 = arith.constant 0 : i32
        %dma_wait3A_268 = arith.constant 0 : i32
        %dma_wait3A_269 = tpu.memref_slice %arg11[%dma_wait3A_267, %dma_wait3A_268] : memref<10240x128xf32, #tpu.memory_space<vmem_shared>> -> memref<10240x128xf32, #tpu.memory_space<vmem_shared>>
        tpu.wait_indirect_dma semaphore(%run_scoped3A_249 : memref<!tpu.dma_semaphore, #tpu.memory_space<semaphore_mem>>) src(%dma_wait3A_263 : memref<128x128xf32, #tpu.memory_space<vmem>>) dst(%dma_wait3A_269 : memref<10240x128xf32, #tpu.memory_space<vmem_shared>>)
        tpu.yield
      }) : () -> ()
      %add3A_192 = arith.constant 2 : i32
      %add3A_193 = arith.addi %mul3A_170, %add3A_192 : i32
      %add3A_194 = arith.constant 0 : i32
      %add3A_195 = arith.addi %add3A_193, %add3A_194 : i32
      %dma_start3A_196 = arith.constant 0 : i32
      %dma_start3A_197 = arith.constant 0 : i32
      %dma_start3A_198 = arith.constant 0 : i32
      %dma_start3A_199 = arith.constant 0 : i32
      %dma_start3A_200 = tpu.memref_slice %arg10[%dma_start3A_196, %dma_start3A_198, %dma_start3A_199] : memref<2x128x128xf32, #tpu.memory_space<vmem>> -> memref<1x128x128xf32, #tpu.memory_space<vmem>>
      %dma_start3A_201 = tpu.memref_squeeze %dma_start3A_200 : memref<1x128x128xf32, #tpu.memory_space<vmem>> -> memref<128x128xf32, #tpu.memory_space<vmem>>
      %dma_start3A_202 = arith.constant 0 : i32
      %dma_start3A_203 = tpu.memref_slice %arg8[%add3A_195, %dma_start3A_202] : memref<40x128xi32, #tpu.memory_space<vmem>> -> memref<1x128xi32, #tpu.memory_space<vmem>>
      %dma_start3A_204 = tpu.memref_squeeze %dma_start3A_203 : memref<1x128xi32, #tpu.memory_space<vmem>> -> memref<128xi32, #tpu.memory_space<vmem>>
      %dma_start3A_205 = arith.constant 0 : i32
      %dma_start3A_206 = arith.constant 0 : i32
      %dma_start3A_207 = tpu.memref_slice %arg2[%dma_start3A_205, %dma_start3A_206] : memref<10000x128xf32, #tpu.memory_space<hbm>> -> memref<10000x128xf32, #tpu.memory_space<hbm>>
      %dma_start3A_208 = tpu.memref_slice %arg12[%dma_start3A_197] : memref<2x!tpu.dma_semaphore, #tpu.memory_space<semaphore_mem>> -> memref<1x!tpu.dma_semaphore, #tpu.memory_space<semaphore_mem>>
      %dma_start3A_209 = tpu.memref_squeeze %dma_start3A_208 : memref<1x!tpu.dma_semaphore, #tpu.memory_space<semaphore_mem>> -> memref<!tpu.dma_semaphore, #tpu.memory_space<semaphore_mem>>
      tpu.enqueue_indirect_dma source(%dma_start3A_207 : memref<10000x128xf32, #tpu.memory_space<hbm>>) target(%dma_start3A_201 : memref<128x128xf32, #tpu.memory_space<vmem>>) offsets(%dma_start3A_204 : memref<128xi32, #tpu.memory_space<vmem>>) semaphore(%dma_start3A_209 : memref<!tpu.dma_semaphore, #tpu.memory_space<semaphore_mem>>)
      %dma_wait3A_210 = arith.constant 1 : i32
      %dma_wait3A_211 = arith.constant 1 : i32
      %dma_wait3A_212 = arith.constant 0 : i32
      %dma_wait3A_213 = arith.constant 0 : i32
      %dma_wait3A_214 = tpu.memref_slice %arg10[%dma_wait3A_210, %dma_wait3A_212, %dma_wait3A_213] : memref<2x128x128xf32, #tpu.memory_space<vmem>> -> memref<1x128x128xf32, #tpu.memory_space<vmem>>
      %dma_wait3A_215 = tpu.memref_squeeze %dma_wait3A_214 : memref<1x128x128xf32, #tpu.memory_space<vmem>> -> memref<128x128xf32, #tpu.memory_space<vmem>>
      %dma_wait3A_216 = arith.constant 0 : i32
      %dma_wait3A_217 = arith.constant 0 : i32
      %dma_wait3A_218 = tpu.memref_slice %arg5[%dma_wait3A_216, %dma_wait3A_217] : memref<10240x128xf32, #tpu.memory_space<hbm>> -> memref<128x128xf32, #tpu.memory_space<hbm>>
      %dma_wait3A_219 = tpu.memref_slice %arg12[%dma_wait3A_211] : memref<2x!tpu.dma_semaphore, #tpu.memory_space<semaphore_mem>> -> memref<1x!tpu.dma_semaphore, #tpu.memory_space<semaphore_mem>>
      %dma_wait3A_220 = tpu.memref_squeeze %dma_wait3A_219 : memref<1x!tpu.dma_semaphore, #tpu.memory_space<semaphore_mem>> -> memref<!tpu.dma_semaphore, #tpu.memory_space<semaphore_mem>>
      %dma_wait3A_221 = arith.constant 0 : i32
      %dma_wait3A_222 = arith.constant 0 : i32
      %dma_wait3A_223 = tpu.memref_slice %arg10[%dma_wait3A_210, %dma_wait3A_221, %dma_wait3A_222] : memref<2x128x128xf32, #tpu.memory_space<vmem>> -> memref<1x128x128xf32, #tpu.memory_space<vmem>>
      %dma_wait3A_224 = tpu.memref_squeeze %dma_wait3A_223 : memref<1x128x128xf32, #tpu.memory_space<vmem>> -> memref<128x128xf32, #tpu.memory_space<vmem>>
      %dma_wait3A_225 = arith.constant 0 : i32
      %dma_wait3A_226 = arith.constant 0 : i32
      %dma_wait3A_227 = tpu.memref_slice %arg5[%dma_wait3A_225, %dma_wait3A_226] : memref<10240x128xf32, #tpu.memory_space<hbm>> -> memref<128x128xf32, #tpu.memory_space<hbm>>
      tpu.wait_dma2 semaphore(%dma_wait3A_220 : memref<!tpu.dma_semaphore, #tpu.memory_space<semaphore_mem>>) src(%dma_wait3A_227 : memref<128x128xf32, #tpu.memory_space<hbm>>) dst(%dma_wait3A_224 : memref<128x128xf32, #tpu.memory_space<vmem>>)
      %add3A_228 = arith.constant 1 : i32
      %add3A_229 = arith.addi %mul3A_170, %add3A_228 : i32
      %run_scoped3A_230 = arith.constant 1 : i32
      "tpu.region"() ({
        %run_scoped3A_249 = tpu.sem_alloc : memref<!tpu.dma_semaphore, #tpu.memory_space<semaphore_mem>>
        %dma_start3A_250 = arith.constant 0 : i32
        %dma_start3A_251 = arith.constant 0 : i32
        %dma_start3A_252 = tpu.memref_slice %arg10[%run_scoped3A_230, %dma_start3A_250, %dma_start3A_251] : memref<2x128x128xf32, #tpu.memory_space<vmem>> -> memref<1x128x128xf32, #tpu.memory_space<vmem>>
        %dma_start3A_253 = tpu.memref_squeeze %dma_start3A_252 : memref<1x128x128xf32, #tpu.memory_space<vmem>> -> memref<128x128xf32, #tpu.memory_space<vmem>>
        %dma_start3A_254 = arith.constant 0 : i32
        %dma_start3A_255 = tpu.memref_slice %arg9[%add3A_229, %dma_start3A_254] : memref<40x128xi32, #tpu.memory_space<vmem>> -> memref<1x128xi32, #tpu.memory_space<vmem>>
        %dma_start3A_256 = tpu.memref_squeeze %dma_start3A_255 : memref<1x128xi32, #tpu.memory_space<vmem>> -> memref<128xi32, #tpu.memory_space<vmem>>
        %dma_start3A_257 = arith.constant 0 : i32
        %dma_start3A_258 = arith.constant 0 : i32
        %dma_start3A_259 = tpu.memref_slice %arg11[%dma_start3A_257, %dma_start3A_258] : memref<10240x128xf32, #tpu.memory_space<vmem_shared>> -> memref<10240x128xf32, #tpu.memory_space<vmem_shared>>
        tpu.enqueue_indirect_dma source(%dma_start3A_253 : memref<128x128xf32, #tpu.memory_space<vmem>>) target(%dma_start3A_259 : memref<10240x128xf32, #tpu.memory_space<vmem_shared>>) offsets(%dma_start3A_256 : memref<128xi32, #tpu.memory_space<vmem>>) semaphore(%run_scoped3A_249 : memref<!tpu.dma_semaphore, #tpu.memory_space<semaphore_mem>>) {add = true}
        %dma_wait3A_260 = arith.constant 0 : i32
        %dma_wait3A_261 = arith.constant 0 : i32
        %dma_wait3A_262 = tpu.memref_slice %arg10[%run_scoped3A_230, %dma_wait3A_260, %dma_wait3A_261] : memref<2x128x128xf32, #tpu.memory_space<vmem>> -> memref<1x128x128xf32, #tpu.memory_space<vmem>>
        %dma_wait3A_263 = tpu.memref_squeeze %dma_wait3A_262 : memref<1x128x128xf32, #tpu.memory_space<vmem>> -> memref<128x128xf32, #tpu.memory_space<vmem>>
        %dma_wait3A_264 = arith.constant 0 : i32
        %dma_wait3A_265 = tpu.memref_slice %arg9[%add3A_229, %dma_wait3A_264] : memref<40x128xi32, #tpu.memory_space<vmem>> -> memref<1x128xi32, #tpu.memory_space<vmem>>
        %dma_wait3A_266 = tpu.memref_squeeze %dma_wait3A_265 : memref<1x128xi32, #tpu.memory_space<vmem>> -> memref<128xi32, #tpu.memory_space<vmem>>
        %dma_wait3A_267 = arith.constant 0 : i32
        %dma_wait3A_268 = arith.constant 0 : i32
        %dma_wait3A_269 = tpu.memref_slice %arg11[%dma_wait3A_267, %dma_wait3A_268] : memref<10240x128xf32, #tpu.memory_space<vmem_shared>> -> memref<10240x128xf32, #tpu.memory_space<vmem_shared>>
        tpu.wait_indirect_dma semaphore(%run_scoped3A_249 : memref<!tpu.dma_semaphore, #tpu.memory_space<semaphore_mem>>) src(%dma_wait3A_263 : memref<128x128xf32, #tpu.memory_space<vmem>>) dst(%dma_wait3A_269 : memref<10240x128xf32, #tpu.memory_space<vmem_shared>>)
        tpu.yield
      }) : () -> ()
      %add3A_231 = arith.constant 2 : i32
      %add3A_232 = arith.addi %mul3A_170, %add3A_231 : i32
      %add3A_233 = arith.constant 1 : i32
      %add3A_234 = arith.addi %add3A_232, %add3A_233 : i32
      %dma_start3A_235 = arith.constant 1 : i32
      %dma_start3A_236 = arith.constant 1 : i32
      %dma_start3A_237 = arith.constant 0 : i32
      %dma_start3A_238 = arith.constant 0 : i32
      %dma_start3A_239 = tpu.memref_slice %arg10[%dma_start3A_235, %dma_start3A_237, %dma_start3A_238] : memref<2x128x128xf32, #tpu.memory_space<vmem>> -> memref<1x128x128xf32, #tpu.memory_space<vmem>>
      %dma_start3A_240 = tpu.memref_squeeze %dma_start3A_239 : memref<1x128x128xf32, #tpu.memory_space<vmem>> -> memref<128x128xf32, #tpu.memory_space<vmem>>
      %dma_start3A_241 = arith.constant 0 : i32
      %dma_start3A_242 = tpu.memref_slice %arg8[%add3A_234, %dma_start3A_241] : memref<40x128xi32, #tpu.memory_space<vmem>> -> memref<1x128xi32, #tpu.memory_space<vmem>>
      %dma_start3A_243 = tpu.memref_squeeze %dma_start3A_242 : memref<1x128xi32, #tpu.memory_space<vmem>> -> memref<128xi32, #tpu.memory_space<vmem>>
      %dma_start3A_244 = arith.constant 0 : i32
      %dma_start3A_245 = arith.constant 0 : i32
      %dma_start3A_246 = tpu.memref_slice %arg2[%dma_start3A_244, %dma_start3A_245] : memref<10000x128xf32, #tpu.memory_space<hbm>> -> memref<10000x128xf32, #tpu.memory_space<hbm>>
      %dma_start3A_247 = tpu.memref_slice %arg12[%dma_start3A_236] : memref<2x!tpu.dma_semaphore, #tpu.memory_space<semaphore_mem>> -> memref<1x!tpu.dma_semaphore, #tpu.memory_space<semaphore_mem>>
      %dma_start3A_248 = tpu.memref_squeeze %dma_start3A_247 : memref<1x!tpu.dma_semaphore, #tpu.memory_space<semaphore_mem>> -> memref<!tpu.dma_semaphore, #tpu.memory_space<semaphore_mem>>
      tpu.enqueue_indirect_dma source(%dma_start3A_246 : memref<10000x128xf32, #tpu.memory_space<hbm>>) target(%dma_start3A_240 : memref<128x128xf32, #tpu.memory_space<vmem>>) offsets(%dma_start3A_243 : memref<128xi32, #tpu.memory_space<vmem>>) semaphore(%dma_start3A_248 : memref<!tpu.dma_semaphore, #tpu.memory_space<semaphore_mem>>)
    }
    %scan3A_119 = arith.constant 19 : i32
    %dma_wait3A_120 = arith.constant 0 : i32
    %dma_wait3A_121 = arith.constant 0 : i32
    %dma_wait3A_122 = arith.constant 0 : i32
    %dma_wait3A_123 = arith.constant 0 : i32
    %dma_wait3A_124 = tpu.memref_slice %arg10[%dma_wait3A_120, %dma_wait3A_122, %dma_wait3A_123] : memref<2x128x128xf32, #tpu.memory_space<vmem>> -> memref<1x128x128xf32, #tpu.memory_space<vmem>>
    %dma_wait3A_125 = tpu.memref_squeeze %dma_wait3A_124 : memref<1x128x128xf32, #tpu.memory_space<vmem>> -> memref<128x128xf32, #tpu.memory_space<vmem>>
    %dma_wait3A_126 = arith.constant 0 : i32
    %dma_wait3A_127 = arith.constant 0 : i32
    %dma_wait3A_128 = tpu.memref_slice %arg5[%dma_wait3A_126, %dma_wait3A_127] : memref<10240x128xf32, #tpu.memory_space<hbm>> -> memref<128x128xf32, #tpu.memory_space<hbm>>
    %dma_wait3A_129 = tpu.memref_slice %arg12[%dma_wait3A_121] : memref<2x!tpu.dma_semaphore, #tpu.memory_space<semaphore_mem>> -> memref<1x!tpu.dma_semaphore, #tpu.memory_space<semaphore_mem>>
    %dma_wait3A_130 = tpu.memref_squeeze %dma_wait3A_129 : memref<1x!tpu.dma_semaphore, #tpu.memory_space<semaphore_mem>> -> memref<!tpu.dma_semaphore, #tpu.memory_space<semaphore_mem>>
    %dma_wait3A_131 = arith.constant 0 : i32
    %dma_wait3A_132 = arith.constant 0 : i32
    %dma_wait3A_133 = tpu.memref_slice %arg10[%dma_wait3A_120, %dma_wait3A_131, %dma_wait3A_132] : memref<2x128x128xf32, #tpu.memory_space<vmem>> -> memref<1x128x128xf32, #tpu.memory_space<vmem>>
    %dma_wait3A_134 = tpu.memref_squeeze %dma_wait3A_133 : memref<1x128x128xf32, #tpu.memory_space<vmem>> -> memref<128x128xf32, #tpu.memory_space<vmem>>
    %dma_wait3A_135 = arith.constant 0 : i32
    %dma_wait3A_136 = arith.constant 0 : i32
    %dma_wait3A_137 = tpu.memref_slice %arg5[%dma_wait3A_135, %dma_wait3A_136] : memref<10240x128xf32, #tpu.memory_space<hbm>> -> memref<128x128xf32, #tpu.memory_space<hbm>>
    tpu.wait_dma2 semaphore(%dma_wait3A_130 : memref<!tpu.dma_semaphore, #tpu.memory_space<semaphore_mem>>) src(%dma_wait3A_137 : memref<128x128xf32, #tpu.memory_space<hbm>>) dst(%dma_wait3A_134 : memref<128x128xf32, #tpu.memory_space<vmem>>)
    %run_scoped3A_138 = arith.constant 0 : i32
    %run_scoped3A_139 = arith.constant 38 : i32
    "tpu.region"() ({
      %run_scoped3A_168 = tpu.sem_alloc : memref<!tpu.dma_semaphore, #tpu.memory_space<semaphore_mem>>
      %dma_start3A_169 = arith.constant 0 : i32
      %dma_start3A_170 = arith.constant 0 : i32
      %dma_start3A_171 = tpu.memref_slice %arg10[%run_scoped3A_138, %dma_start3A_169, %dma_start3A_170] : memref<2x128x128xf32, #tpu.memory_space<vmem>> -> memref<1x128x128xf32, #tpu.memory_space<vmem>>
      %dma_start3A_172 = tpu.memref_squeeze %dma_start3A_171 : memref<1x128x128xf32, #tpu.memory_space<vmem>> -> memref<128x128xf32, #tpu.memory_space<vmem>>
      %dma_start3A_173 = arith.constant 0 : i32
      %dma_start3A_174 = tpu.memref_slice %arg9[%run_scoped3A_139, %dma_start3A_173] : memref<40x128xi32, #tpu.memory_space<vmem>> -> memref<1x128xi32, #tpu.memory_space<vmem>>
      %dma_start3A_175 = tpu.memref_squeeze %dma_start3A_174 : memref<1x128xi32, #tpu.memory_space<vmem>> -> memref<128xi32, #tpu.memory_space<vmem>>
      %dma_start3A_176 = arith.constant 0 : i32
      %dma_start3A_177 = arith.constant 0 : i32
      %dma_start3A_178 = tpu.memref_slice %arg11[%dma_start3A_176, %dma_start3A_177] : memref<10240x128xf32, #tpu.memory_space<vmem_shared>> -> memref<10240x128xf32, #tpu.memory_space<vmem_shared>>
      tpu.enqueue_indirect_dma source(%dma_start3A_172 : memref<128x128xf32, #tpu.memory_space<vmem>>) target(%dma_start3A_178 : memref<10240x128xf32, #tpu.memory_space<vmem_shared>>) offsets(%dma_start3A_175 : memref<128xi32, #tpu.memory_space<vmem>>) semaphore(%run_scoped3A_168 : memref<!tpu.dma_semaphore, #tpu.memory_space<semaphore_mem>>) {add = true}
      %dma_wait3A_179 = arith.constant 0 : i32
      %dma_wait3A_180 = arith.constant 0 : i32
      %dma_wait3A_181 = tpu.memref_slice %arg10[%run_scoped3A_138, %dma_wait3A_179, %dma_wait3A_180] : memref<2x128x128xf32, #tpu.memory_space<vmem>> -> memref<1x128x128xf32, #tpu.memory_space<vmem>>
      %dma_wait3A_182 = tpu.memref_squeeze %dma_wait3A_181 : memref<1x128x128xf32, #tpu.memory_space<vmem>> -> memref<128x128xf32, #tpu.memory_space<vmem>>
      %dma_wait3A_183 = arith.constant 0 : i32
      %dma_wait3A_184 = tpu.memref_slice %arg9[%run_scoped3A_139, %dma_wait3A_183] : memref<40x128xi32, #tpu.memory_space<vmem>> -> memref<1x128xi32, #tpu.memory_space<vmem>>
      %dma_wait3A_185 = tpu.memref_squeeze %dma_wait3A_184 : memref<1x128xi32, #tpu.memory_space<vmem>> -> memref<128xi32, #tpu.memory_space<vmem>>
      %dma_wait3A_186 = arith.constant 0 : i32
      %dma_wait3A_187 = arith.constant 0 : i32
      %dma_wait3A_188 = tpu.memref_slice %arg11[%dma_wait3A_186, %dma_wait3A_187] : memref<10240x128xf32, #tpu.memory_space<vmem_shared>> -> memref<10240x128xf32, #tpu.memory_space<vmem_shared>>
      tpu.wait_indirect_dma semaphore(%run_scoped3A_168 : memref<!tpu.dma_semaphore, #tpu.memory_space<semaphore_mem>>) src(%dma_wait3A_182 : memref<128x128xf32, #tpu.memory_space<vmem>>) dst(%dma_wait3A_188 : memref<10240x128xf32, #tpu.memory_space<vmem_shared>>)
      tpu.yield
    }) : () -> ()
    %dma_wait3A_140 = arith.constant 1 : i32
    %dma_wait3A_141 = arith.constant 1 : i32
    %dma_wait3A_142 = arith.constant 0 : i32
    %dma_wait3A_143 = arith.constant 0 : i32
    %dma_wait3A_144 = tpu.memref_slice %arg10[%dma_wait3A_140, %dma_wait3A_142, %dma_wait3A_143] : memref<2x128x128xf32, #tpu.memory_space<vmem>> -> memref<1x128x128xf32, #tpu.memory_space<vmem>>
    %dma_wait3A_145 = tpu.memref_squeeze %dma_wait3A_144 : memref<1x128x128xf32, #tpu.memory_space<vmem>> -> memref<128x128xf32, #tpu.memory_space<vmem>>
    %dma_wait3A_146 = arith.constant 0 : i32
    %dma_wait3A_147 = arith.constant 0 : i32
    %dma_wait3A_148 = tpu.memref_slice %arg5[%dma_wait3A_146, %dma_wait3A_147] : memref<10240x128xf32, #tpu.memory_space<hbm>> -> memref<128x128xf32, #tpu.memory_space<hbm>>
    %dma_wait3A_149 = tpu.memref_slice %arg12[%dma_wait3A_141] : memref<2x!tpu.dma_semaphore, #tpu.memory_space<semaphore_mem>> -> memref<1x!tpu.dma_semaphore, #tpu.memory_space<semaphore_mem>>
    %dma_wait3A_150 = tpu.memref_squeeze %dma_wait3A_149 : memref<1x!tpu.dma_semaphore, #tpu.memory_space<semaphore_mem>> -> memref<!tpu.dma_semaphore, #tpu.memory_space<semaphore_mem>>
    %dma_wait3A_151 = arith.constant 0 : i32
    %dma_wait3A_152 = arith.constant 0 : i32
    %dma_wait3A_153 = tpu.memref_slice %arg10[%dma_wait3A_140, %dma_wait3A_151, %dma_wait3A_152] : memref<2x128x128xf32, #tpu.memory_space<vmem>> -> memref<1x128x128xf32, #tpu.memory_space<vmem>>
    %dma_wait3A_154 = tpu.memref_squeeze %dma_wait3A_153 : memref<1x128x128xf32, #tpu.memory_space<vmem>> -> memref<128x128xf32, #tpu.memory_space<vmem>>
    %dma_wait3A_155 = arith.constant 0 : i32
    %dma_wait3A_156 = arith.constant 0 : i32
    %dma_wait3A_157 = tpu.memref_slice %arg5[%dma_wait3A_155, %dma_wait3A_156] : memref<10240x128xf32, #tpu.memory_space<hbm>> -> memref<128x128xf32, #tpu.memory_space<hbm>>
    tpu.wait_dma2 semaphore(%dma_wait3A_150 : memref<!tpu.dma_semaphore, #tpu.memory_space<semaphore_mem>>) src(%dma_wait3A_157 : memref<128x128xf32, #tpu.memory_space<hbm>>) dst(%dma_wait3A_154 : memref<128x128xf32, #tpu.memory_space<vmem>>)
    %run_scoped3A_158 = arith.constant 1 : i32
    %run_scoped3A_159 = arith.constant 39 : i32
    "tpu.region"() ({
      %run_scoped3A_168 = tpu.sem_alloc : memref<!tpu.dma_semaphore, #tpu.memory_space<semaphore_mem>>
      %dma_start3A_169 = arith.constant 0 : i32
      %dma_start3A_170 = arith.constant 0 : i32
      %dma_start3A_171 = tpu.memref_slice %arg10[%run_scoped3A_158, %dma_start3A_169, %dma_start3A_170] : memref<2x128x128xf32, #tpu.memory_space<vmem>> -> memref<1x128x128xf32, #tpu.memory_space<vmem>>
      %dma_start3A_172 = tpu.memref_squeeze %dma_start3A_171 : memref<1x128x128xf32, #tpu.memory_space<vmem>> -> memref<128x128xf32, #tpu.memory_space<vmem>>
      %dma_start3A_173 = arith.constant 0 : i32
      %dma_start3A_174 = tpu.memref_slice %arg9[%run_scoped3A_159, %dma_start3A_173] : memref<40x128xi32, #tpu.memory_space<vmem>> -> memref<1x128xi32, #tpu.memory_space<vmem>>
      %dma_start3A_175 = tpu.memref_squeeze %dma_start3A_174 : memref<1x128xi32, #tpu.memory_space<vmem>> -> memref<128xi32, #tpu.memory_space<vmem>>
      %dma_start3A_176 = arith.constant 0 : i32
      %dma_start3A_177 = arith.constant 0 : i32
      %dma_start3A_178 = tpu.memref_slice %arg11[%dma_start3A_176, %dma_start3A_177] : memref<10240x128xf32, #tpu.memory_space<vmem_shared>> -> memref<10240x128xf32, #tpu.memory_space<vmem_shared>>
      tpu.enqueue_indirect_dma source(%dma_start3A_172 : memref<128x128xf32, #tpu.memory_space<vmem>>) target(%dma_start3A_178 : memref<10240x128xf32, #tpu.memory_space<vmem_shared>>) offsets(%dma_start3A_175 : memref<128xi32, #tpu.memory_space<vmem>>) semaphore(%run_scoped3A_168 : memref<!tpu.dma_semaphore, #tpu.memory_space<semaphore_mem>>) {add = true}
      %dma_wait3A_179 = arith.constant 0 : i32
      %dma_wait3A_180 = arith.constant 0 : i32
      %dma_wait3A_181 = tpu.memref_slice %arg10[%run_scoped3A_158, %dma_wait3A_179, %dma_wait3A_180] : memref<2x128x128xf32, #tpu.memory_space<vmem>> -> memref<1x128x128xf32, #tpu.memory_space<vmem>>
      %dma_wait3A_182 = tpu.memref_squeeze %dma_wait3A_181 : memref<1x128x128xf32, #tpu.memory_space<vmem>> -> memref<128x128xf32, #tpu.memory_space<vmem>>
      %dma_wait3A_183 = arith.constant 0 : i32
      %dma_wait3A_184 = tpu.memref_slice %arg9[%run_scoped3A_159, %dma_wait3A_183] : memref<40x128xi32, #tpu.memory_space<vmem>> -> memref<1x128xi32, #tpu.memory_space<vmem>>
      %dma_wait3A_185 = tpu.memref_squeeze %dma_wait3A_184 : memref<1x128xi32, #tpu.memory_space<vmem>> -> memref<128xi32, #tpu.memory_space<vmem>>
      %dma_wait3A_186 = arith.constant 0 : i32
      %dma_wait3A_187 = arith.constant 0 : i32
      %dma_wait3A_188 = tpu.memref_slice %arg11[%dma_wait3A_186, %dma_wait3A_187] : memref<10240x128xf32, #tpu.memory_space<vmem_shared>> -> memref<10240x128xf32, #tpu.memory_space<vmem_shared>>
      tpu.wait_indirect_dma semaphore(%run_scoped3A_168 : memref<!tpu.dma_semaphore, #tpu.memory_space<semaphore_mem>>) src(%dma_wait3A_182 : memref<128x128xf32, #tpu.memory_space<vmem>>) dst(%dma_wait3A_188 : memref<10240x128xf32, #tpu.memory_space<vmem_shared>>)
      tpu.yield
    }) : () -> ()
    %barrier3A_160 = arith.constant 0 : index
    tpu.barrier barrier_id(%barrier3A_160)
    %eq3A = arith.constant 0 : i32
    %eq3A_161 = arith.cmpi eq, %arg0, %eq3A : i32
    %convert_element_type3A = arith.extui %eq3A_161 : i1 to i32
    %cond3A = arith.constant 0 : i32
    %cond3A_162 = arith.cmpi ne, %convert_element_type3A, %cond3A : i32
    scf.if %cond3A_162 {
      "tpu.region"() ({
        %run_scoped3A_168 = tpu.sem_alloc : memref<!tpu.dma_semaphore, #tpu.memory_space<semaphore_mem>>
        %dma_start3A_169 = arith.constant 0 : i32
        %dma_start3A_170 = tpu.memref_slice %arg6[%mul3A_2, %dma_start3A_169] : memref<10240x128xf32, #tpu.memory_space<hbm>> -> memref<640x128xf32, #tpu.memory_space<hbm>>
        %dma_start3A_171 = arith.constant 0 : i32
        %dma_start3A_172 = tpu.memref_slice %arg11[%mul3A_2, %dma_start3A_171] : memref<10240x128xf32, #tpu.memory_space<vmem_shared>> -> memref<640x128xf32, #tpu.memory_space<vmem_shared>>
        tpu.enqueue_dma source(%dma_start3A_172 : memref<640x128xf32, #tpu.memory_space<vmem_shared>>) target(%dma_start3A_170 : memref<640x128xf32, #tpu.memory_space<hbm>>) target_semaphore(%run_scoped3A_168 : memref<!tpu.dma_semaphore, #tpu.memory_space<semaphore_mem>>)
        %dma_wait3A_173 = arith.constant 0 : i32
        %dma_wait3A_174 = tpu.memref_slice %arg6[%mul3A_2, %dma_wait3A_173] : memref<10240x128xf32, #tpu.memory_space<hbm>> -> memref<640x128xf32, #tpu.memory_space<hbm>>
        %dma_wait3A_175 = arith.constant 0 : i32
        %dma_wait3A_176 = tpu.memref_slice %arg11[%mul3A_2, %dma_wait3A_175] : memref<10240x128xf32, #tpu.memory_space<vmem_shared>> -> memref<640x128xf32, #tpu.memory_space<vmem_shared>>
        tpu.wait_dma2 semaphore(%run_scoped3A_168 : memref<!tpu.dma_semaphore, #tpu.memory_space<semaphore_mem>>) src(%dma_wait3A_176 : memref<640x128xf32, #tpu.memory_space<vmem_shared>>) dst(%dma_wait3A_174 : memref<640x128xf32, #tpu.memory_space<hbm>>)
        tpu.yield
      }) : () -> ()
    } else {
    }
    %eq3A_163 = arith.constant 1 : i32
    %eq3A_164 = arith.cmpi eq, %arg0, %eq3A_163 : i32
    %convert_element_type3A_165 = arith.extui %eq3A_164 : i1 to i32
    %cond3A_166 = arith.constant 0 : i32
    %cond3A_167 = arith.cmpi ne, %convert_element_type3A_165, %cond3A_166 : i32
    scf.if %cond3A_167 {
      "tpu.region"() ({
        %run_scoped3A_168 = tpu.sem_alloc : memref<!tpu.dma_semaphore, #tpu.memory_space<semaphore_mem>>
        %dma_start3A_169 = arith.constant 0 : i32
        %dma_start3A_170 = tpu.memref_slice %arg7[%mul3A_2, %dma_start3A_169] : memref<10240x128xf32, #tpu.memory_space<hbm>> -> memref<640x128xf32, #tpu.memory_space<hbm>>
        %dma_start3A_171 = arith.constant 0 : i32
        %dma_start3A_172 = tpu.memref_slice %arg11[%mul3A_2, %dma_start3A_171] : memref<10240x128xf32, #tpu.memory_space<vmem_shared>> -> memref<640x128xf32, #tpu.memory_space<vmem_shared>>
        tpu.enqueue_dma source(%dma_start3A_172 : memref<640x128xf32, #tpu.memory_space<vmem_shared>>) target(%dma_start3A_170 : memref<640x128xf32, #tpu.memory_space<hbm>>) target_semaphore(%run_scoped3A_168 : memref<!tpu.dma_semaphore, #tpu.memory_space<semaphore_mem>>)
        %dma_wait3A_173 = arith.constant 0 : i32
        %dma_wait3A_174 = tpu.memref_slice %arg7[%mul3A_2, %dma_wait3A_173] : memref<10240x128xf32, #tpu.memory_space<hbm>> -> memref<640x128xf32, #tpu.memory_space<hbm>>
        %dma_wait3A_175 = arith.constant 0 : i32
        %dma_wait3A_176 = tpu.memref_slice %arg11[%mul3A_2, %dma_wait3A_175] : memref<10240x128xf32, #tpu.memory_space<vmem_shared>> -> memref<640x128xf32, #tpu.memory_space<vmem_shared>>
        tpu.wait_dma2 semaphore(%run_scoped3A_168 : memref<!tpu.dma_semaphore, #tpu.memory_space<semaphore_mem>>) src(%dma_wait3A_176 : memref<640x128xf32, #tpu.memory_space<vmem_shared>>) dst(%dma_wait3A_174 : memref<640x128xf32, #tpu.memory_space<hbm>>)
        tpu.yield
      }) : () -> ()
    } else {
    }
    return
  }
}

#map = affine_map<(d0, d1) -> (0, 0)>
module attributes {stable_mosaic.version = 14 : i64} {
  func.func @k(%arg0: i32, %arg1: i32, %arg2: memref<10000x128xf32, #tpu.memory_space<hbm>>, %arg3: memref<2560x128xi32, #tpu.memory_space<hbm>>, %arg4: memref<2560x128xi32, #tpu.memory_space<hbm>>, %arg5: memref<10240x128xf32, #tpu.memory_space<hbm>>, %arg6: memref<10240x128xf32, #tpu.memory_space<hbm>>, %arg7: memref<10240x128xf32, #tpu.memory_space<hbm>>, %arg8: memref<40x128xi32, #tpu.memory_space<vmem>>, %arg9: memref<40x128xi32, #tpu.memory_space<vmem>>, %arg10: memref<2x128x128xf32, #tpu.memory_space<vmem>>, %arg11: memref<10240x128xf32, #tpu.memory_space<vmem_shared>>, %arg12: memref<2x!tpu.dma_semaphore, #tpu.memory_space<semaphore_mem>>) attributes {dimension_semantics = [#tpu.dimension_semantics<core_parallel>, #tpu.dimension_semantics<subcore_parallel>], iteration_bounds = array<i64: 2, 16>, scalar_prefetch = 0 : i64, scratch_operands = 5 : i64, tpu.core_type = #tpu.core_type<sc_vector_subcore>, window_params = [{transform_indices = #map}, {transform_indices = #map}, {transform_indices = #map}, {transform_indices = #map}, {transform_indices = #map}, {transform_indices = #map}]} {
    %mul3A = arith.constant 16 : i32
    %mul3A_0 = arith.muli %arg0, %mul3A : i32
    %add3A = arith.addi %mul3A_0, %arg1 : i32
    %mul3A_1 = arith.constant 640 : i32
    %mul3A_2 = arith.muli %arg1, %mul3A_1 : i32
    "tpu.region"() ({
      %run_scoped3A_168 = tpu.sem_alloc : memref<!tpu.dma_semaphore, #tpu.memory_space<semaphore_mem>>
      %dma_start3A_169 = arith.constant 0 : i32
      %dma_start3A_170 = tpu.memref_slice %arg11[%mul3A_2, %dma_start3A_169] : memref<10240x128xf32, #tpu.memory_space<vmem_shared>> -> memref<640x128xf32, #tpu.memory_space<vmem_shared>>
      %dma_start3A_171 = arith.constant 0 : i32
      %dma_start3A_172 = tpu.memref_slice %arg5[%mul3A_2, %dma_start3A_171] : memref<10240x128xf32, #tpu.memory_space<hbm>> -> memref<640x128xf32, #tpu.memory_space<hbm>>
      tpu.enqueue_dma source(%dma_start3A_172 : memref<640x128xf32, #tpu.memory_space<hbm>>) target(%dma_start3A_170 : memref<640x128xf32, #tpu.memory_space<vmem_shared>>) target_semaphore(%run_scoped3A_168 : memref<!tpu.dma_semaphore, #tpu.memory_space<semaphore_mem>>)
      %dma_wait3A_173 = arith.constant 0 : i32
      %dma_wait3A_174 = tpu.memref_slice %arg11[%mul3A_2, %dma_wait3A_173] : memref<10240x128xf32, #tpu.memory_space<vmem_shared>> -> memref<640x128xf32, #tpu.memory_space<vmem_shared>>
      %dma_wait3A_175 = arith.constant 0 : i32
      %dma_wait3A_176 = tpu.memref_slice %arg5[%mul3A_2, %dma_wait3A_175] : memref<10240x128xf32, #tpu.memory_space<hbm>> -> memref<640x128xf32, #tpu.memory_space<hbm>>
      tpu.wait_dma2 semaphore(%run_scoped3A_168 : memref<!tpu.dma_semaphore, #tpu.memory_space<semaphore_mem>>) src(%dma_wait3A_176 : memref<640x128xf32, #tpu.memory_space<hbm>>) dst(%dma_wait3A_174 : memref<640x128xf32, #tpu.memory_space<vmem_shared>>)
      tpu.yield
    }) : () -> ()
    %mul3A_3 = arith.constant 80 : i32
    %mul3A_4 = arith.muli %add3A, %mul3A_3 : i32
    %add3A_5 = arith.constant 0 : i32
    %add3A_6 = arith.addi %mul3A_4, %add3A_5 : i32
    %multiple_of3A = tpu.assume_multiple %add3A_6, 8 : i32
    "tpu.region"() ({
      %run_scoped3A_168 = tpu.sem_alloc : memref<!tpu.dma_semaphore, #tpu.memory_space<semaphore_mem>>
      %dma_start3A_169 = arith.constant 0 : i32
      %dma_start3A_170 = tpu.memref_slice %arg3[%multiple_of3A, %dma_start3A_169] : memref<2560x128xi32, #tpu.memory_space<hbm>> -> memref<40x128xi32, #tpu.memory_space<hbm>>
      %dma_start3A_171 = arith.constant 0 : i32
      %dma_start3A_172 = tpu.memref_slice %arg3[%multiple_of3A, %dma_start3A_171] : memref<2560x128xi32, #tpu.memory_space<hbm>> -> memref<40x128xi32, #tpu.memory_space<hbm>>
      tpu.enqueue_dma source(%dma_start3A_172 : memref<40x128xi32, #tpu.memory_space<hbm>>) target(%arg8 : memref<40x128xi32, #tpu.memory_space<vmem>>) target_semaphore(%run_scoped3A_168 : memref<!tpu.dma_semaphore, #tpu.memory_space<semaphore_mem>>)
      %dma_wait3A_173 = arith.constant 0 : i32
      %dma_wait3A_174 = tpu.memref_slice %arg3[%multiple_of3A, %dma_wait3A_173] : memref<2560x128xi32, #tpu.memory_space<hbm>> -> memref<40x128xi32, #tpu.memory_space<hbm>>
      %dma_wait3A_175 = arith.constant 0 : i32
      %dma_wait3A_176 = tpu.memref_slice %arg3[%multiple_of3A, %dma_wait3A_175] : memref<2560x128xi32, #tpu.memory_space<hbm>> -> memref<40x128xi32, #tpu.memory_space<hbm>>
      tpu.wait_dma2 semaphore(%run_scoped3A_168 : memref<!tpu.dma_semaphore, #tpu.memory_space<semaphore_mem>>) src(%dma_wait3A_176 : memref<40x128xi32, #tpu.memory_space<hbm>>) dst(%arg8 : memref<40x128xi32, #tpu.memory_space<vmem>>)
      tpu.yield
    }) : () -> ()
    "tpu.region"() ({
      %run_scoped3A_168 = tpu.sem_alloc : memref<!tpu.dma_semaphore, #tpu.memory_space<semaphore_mem>>
      %dma_start3A_169 = arith.constant 0 : i32
      %dma_start3A_170 = tpu.memref_slice %arg4[%multiple_of3A, %dma_start3A_169] : memref<2560x128xi32, #tpu.memory_space<hbm>> -> memref<40x128xi32, #tpu.memory_space<hbm>>
      %dma_start3A_171 = arith.constant 0 : i32
      %dma_start3A_172 = tpu.memref_slice %arg4[%multiple_of3A, %dma_start3A_171] : memref<2560x128xi32, #tpu.memory_space<hbm>> -> memref<40x128xi32, #tpu.memory_space<hbm>>
      tpu.enqueue_dma source(%dma_start3A_172 : memref<40x128xi32, #tpu.memory_space<hbm>>) target(%arg9 : memref<40x128xi32, #tpu.memory_space<vmem>>) target_semaphore(%run_scoped3A_168 : memref<!tpu.dma_semaphore, #tpu.memory_space<semaphore_mem>>)
      %dma_wait3A_173 = arith.constant 0 : i32
      %dma_wait3A_174 = tpu.memref_slice %arg4[%multiple_of3A, %dma_wait3A_173] : memref<2560x128xi32, #tpu.memory_space<hbm>> -> memref<40x128xi32, #tpu.memory_space<hbm>>
      %dma_wait3A_175 = arith.constant 0 : i32
      %dma_wait3A_176 = tpu.memref_slice %arg4[%multiple_of3A, %dma_wait3A_175] : memref<2560x128xi32, #tpu.memory_space<hbm>> -> memref<40x128xi32, #tpu.memory_space<hbm>>
      tpu.wait_dma2 semaphore(%run_scoped3A_168 : memref<!tpu.dma_semaphore, #tpu.memory_space<semaphore_mem>>) src(%dma_wait3A_176 : memref<40x128xi32, #tpu.memory_space<hbm>>) dst(%arg9 : memref<40x128xi32, #tpu.memory_space<vmem>>)
      tpu.yield
    }) : () -> ()
    %barrier3A = arith.constant 0 : index
    tpu.barrier barrier_id(%barrier3A)
    %dma_start3A = arith.constant 0 : i32
    %dma_start3A_7 = arith.constant 0 : i32
    %dma_start3A_8 = arith.constant 0 : i32
    %dma_start3A_9 = arith.constant 0 : i32
    %dma_start3A_10 = arith.constant 0 : i32
    %dma_start3A_11 = tpu.memref_slice %arg10[%dma_start3A_7, %dma_start3A_9, %dma_start3A_10] : memref<2x128x128xf32, #tpu.memory_space<vmem>> -> memref<1x128x128xf32, #tpu.memory_space<vmem>>
    %dma_start3A_12 = tpu.memref_squeeze %dma_start3A_11 : memref<1x128x128xf32, #tpu.memory_space<vmem>> -> memref<128x128xf32, #tpu.memory_space<vmem>>
    %dma_start3A_13 = arith.constant 0 : i32
    %dma_start3A_14 = tpu.memref_slice %arg8[%dma_start3A, %dma_start3A_13] : memref<40x128xi32, #tpu.memory_space<vmem>> -> memref<1x128xi32, #tpu.memory_space<vmem>>
    %dma_start3A_15 = tpu.memref_squeeze %dma_start3A_14 : memref<1x128xi32, #tpu.memory_space<vmem>> -> memref<128xi32, #tpu.memory_space<vmem>>
    %dma_start3A_16 = arith.constant 0 : i32
    %dma_start3A_17 = arith.constant 0 : i32
    %dma_start3A_18 = tpu.memref_slice %arg2[%dma_start3A_16, %dma_start3A_17] : memref<10000x128xf32, #tpu.memory_space<hbm>> -> memref<10000x128xf32, #tpu.memory_space<hbm>>
    %dma_start3A_19 = tpu.memref_slice %arg12[%dma_start3A_8] : memref<2x!tpu.dma_semaphore, #tpu.memory_space<semaphore_mem>> -> memref<1x!tpu.dma_semaphore, #tpu.memory_space<semaphore_mem>>
    %dma_start3A_20 = tpu.memref_squeeze %dma_start3A_19 : memref<1x!tpu.dma_semaphore, #tpu.memory_space<semaphore_mem>> -> memref<!tpu.dma_semaphore, #tpu.memory_space<semaphore_mem>>
    tpu.enqueue_indirect_dma source(%dma_start3A_18 : memref<10000x128xf32, #tpu.memory_space<hbm>>) target(%dma_start3A_12 : memref<128x128xf32, #tpu.memory_space<vmem>>) offsets(%dma_start3A_15 : memref<128xi32, #tpu.memory_space<vmem>>) semaphore(%dma_start3A_20 : memref<!tpu.dma_semaphore, #tpu.memory_space<semaphore_mem>>)
    %dma_start3A_21 = arith.constant 1 : i32
    %dma_start3A_22 = arith.constant 1 : i32
    %dma_start3A_23 = arith.constant 1 : i32
    %dma_start3A_24 = arith.constant 0 : i32
    %dma_start3A_25 = arith.constant 0 : i32
    %dma_start3A_26 = tpu.memref_slice %arg10[%dma_start3A_22, %dma_start3A_24, %dma_start3A_25] : memref<2x128x128xf32, #tpu.memory_space<vmem>> -> memref<1x128x128xf32, #tpu.memory_space<vmem>>
    %dma_start3A_27 = tpu.memref_squeeze %dma_start3A_26 : memref<1x128x128xf32, #tpu.memory_space<vmem>> -> memref<128x128xf32, #tpu.memory_space<vmem>>
    %dma_start3A_28 = arith.constant 0 : i32
    %dma_start3A_29 = tpu.memref_slice %arg8[%dma_start3A_21, %dma_start3A_28] : memref<40x128xi32, #tpu.memory_space<vmem>> -> memref<1x128xi32, #tpu.memory_space<vmem>>
    %dma_start3A_30 = tpu.memref_squeeze %dma_start3A_29 : memref<1x128xi32, #tpu.memory_space<vmem>> -> memref<128xi32, #tpu.memory_space<vmem>>
    %dma_start3A_31 = arith.constant 0 : i32
    %dma_start3A_32 = arith.constant 0 : i32
    %dma_start3A_33 = tpu.memref_slice %arg2[%dma_start3A_31, %dma_start3A_32] : memref<10000x128xf32, #tpu.memory_space<hbm>> -> memref<10000x128xf32, #tpu.memory_space<hbm>>
    %dma_start3A_34 = tpu.memref_slice %arg12[%dma_start3A_23] : memref<2x!tpu.dma_semaphore, #tpu.memory_space<semaphore_mem>> -> memref<1x!tpu.dma_semaphore, #tpu.memory_space<semaphore_mem>>
    %dma_start3A_35 = tpu.memref_squeeze %dma_start3A_34 : memref<1x!tpu.dma_semaphore, #tpu.memory_space<semaphore_mem>> -> memref<!tpu.dma_semaphore, #tpu.memory_space<semaphore_mem>>
    tpu.enqueue_indirect_dma source(%dma_start3A_33 : memref<10000x128xf32, #tpu.memory_space<hbm>>) target(%dma_start3A_27 : memref<128x128xf32, #tpu.memory_space<vmem>>) offsets(%dma_start3A_30 : memref<128xi32, #tpu.memory_space<vmem>>) semaphore(%dma_start3A_35 : memref<!tpu.dma_semaphore, #tpu.memory_space<semaphore_mem>>)
    %scan3A = arith.constant 0 : i32
    %scan3A_36 = arith.constant 0 : i32
    %scan3A_37 = arith.constant 19 : i32
    %scan3A_38 = arith.addi %scan3A_36, %scan3A_37 : i32
    %scan3A_39 = arith.constant 1 : i32
    scf.for %scan3A_168 = %scan3A_36 to %scan3A_38 step %scan3A_39  : i32 {
      %mul3A_169 = arith.constant 2 : i32
      %mul3A_170 = arith.muli %scan3A_168, %mul3A_169 : i32
      %dma_wait3A_171 = arith.constant 0 : i32
      %dma_wait3A_172 = arith.constant 0 : i32
      %dma_wait3A_173 = arith.constant 0 : i32
      %dma_wait3A_174 = arith.constant 0 : i32
      %dma_wait3A_175 = tpu.memref_slice %arg10[%dma_wait3A_171, %dma_wait3A_173, %dma_wait3A_174] : memref<2x128x128xf32, #tpu.memory_space<vmem>> -> memref<1x128x128xf32, #tpu.memory_space<vmem>>
      %dma_wait3A_176 = tpu.memref_squeeze %dma_wait3A_175 : memref<1x128x128xf32, #tpu.memory_space<vmem>> -> memref<128x128xf32, #tpu.memory_space<vmem>>
      %dma_wait3A_177 = arith.constant 0 : i32
      %dma_wait3A_178 = arith.constant 0 : i32
      %dma_wait3A_179 = tpu.memref_slice %arg5[%dma_wait3A_177, %dma_wait3A_178] : memref<10240x128xf32, #tpu.memory_space<hbm>> -> memref<128x128xf32, #tpu.memory_space<hbm>>
      %dma_wait3A_180 = tpu.memref_slice %arg12[%dma_wait3A_172] : memref<2x!tpu.dma_semaphore, #tpu.memory_space<semaphore_mem>> -> memref<1x!tpu.dma_semaphore, #tpu.memory_space<semaphore_mem>>
      %dma_wait3A_181 = tpu.memref_squeeze %dma_wait3A_180 : memref<1x!tpu.dma_semaphore, #tpu.memory_space<semaphore_mem>> -> memref<!tpu.dma_semaphore, #tpu.memory_space<semaphore_mem>>
      %dma_wait3A_182 = arith.constant 0 : i32
      %dma_wait3A_183 = arith.constant 0 : i32
      %dma_wait3A_184 = tpu.memref_slice %arg10[%dma_wait3A_171, %dma_wait3A_182, %dma_wait3A_183] : memref<2x128x128xf32, #tpu.memory_space<vmem>> -> memref<1x128x128xf32, #tpu.memory_space<vmem>>
      %dma_wait3A_185 = tpu.memref_squeeze %dma_wait3A_184 : memref<1x128x128xf32, #tpu.memory_space<vmem>> -> memref<128x128xf32, #tpu.memory_space<vmem>>
      %dma_wait3A_186 = arith.constant 0 : i32
      %dma_wait3A_187 = arith.constant 0 : i32
      %dma_wait3A_188 = tpu.memref_slice %arg5[%dma_wait3A_186, %dma_wait3A_187] : memref<10240x128xf32, #tpu.memory_space<hbm>> -> memref<128x128xf32, #tpu.memory_space<hbm>>
      tpu.wait_dma2 semaphore(%dma_wait3A_181 : memref<!tpu.dma_semaphore, #tpu.memory_space<semaphore_mem>>) src(%dma_wait3A_188 : memref<128x128xf32, #tpu.memory_space<hbm>>) dst(%dma_wait3A_185 : memref<128x128xf32, #tpu.memory_space<vmem>>)
      %add3A_189 = arith.constant 0 : i32
      %add3A_190 = arith.addi %mul3A_170, %add3A_189 : i32
      %run_scoped3A_191 = arith.constant 0 : i32
      "tpu.region"() ({
        %run_scoped3A_249 = tpu.sem_alloc : memref<!tpu.dma_semaphore, #tpu.memory_space<semaphore_mem>>
        %dma_start3A_250 = arith.constant 0 : i32
        %dma_start3A_251 = arith.constant 0 : i32
        %dma_start3A_252 = tpu.memref_slice %arg10[%run_scoped3A_191, %dma_start3A_250, %dma_start3A_251] : memref<2x128x128xf32, #tpu.memory_space<vmem>> -> memref<1x128x128xf32, #tpu.memory_space<vmem>>
        %dma_start3A_253 = tpu.memref_squeeze %dma_start3A_252 : memref<1x128x128xf32, #tpu.memory_space<vmem>> -> memref<128x128xf32, #tpu.memory_space<vmem>>
        %dma_start3A_254 = arith.constant 0 : i32
        %dma_start3A_255 = tpu.memref_slice %arg9[%add3A_190, %dma_start3A_254] : memref<40x128xi32, #tpu.memory_space<vmem>> -> memref<1x128xi32, #tpu.memory_space<vmem>>
        %dma_start3A_256 = tpu.memref_squeeze %dma_start3A_255 : memref<1x128xi32, #tpu.memory_space<vmem>> -> memref<128xi32, #tpu.memory_space<vmem>>
        %dma_start3A_257 = arith.constant 0 : i32
        %dma_start3A_258 = arith.constant 0 : i32
        %dma_start3A_259 = tpu.memref_slice %arg11[%dma_start3A_257, %dma_start3A_258] : memref<10240x128xf32, #tpu.memory_space<vmem_shared>> -> memref<10240x128xf32, #tpu.memory_space<vmem_shared>>
        tpu.enqueue_indirect_dma source(%dma_start3A_253 : memref<128x128xf32, #tpu.memory_space<vmem>>) target(%dma_start3A_259 : memref<10240x128xf32, #tpu.memory_space<vmem_shared>>) offsets(%dma_start3A_256 : memref<128xi32, #tpu.memory_space<vmem>>) semaphore(%run_scoped3A_249 : memref<!tpu.dma_semaphore, #tpu.memory_space<semaphore_mem>>) {add = true}
        %dma_wait3A_260 = arith.constant 0 : i32
        %dma_wait3A_261 = arith.constant 0 : i32
        %dma_wait3A_262 = tpu.memref_slice %arg10[%run_scoped3A_191, %dma_wait3A_260, %dma_wait3A_261] : memref<2x128x128xf32, #tpu.memory_space<vmem>> -> memref<1x128x128xf32, #tpu.memory_space<vmem>>
        %dma_wait3A_263 = tpu.memref_squeeze %dma_wait3A_262 : memref<1x128x128xf32, #tpu.memory_space<vmem>> -> memref<128x128xf32, #tpu.memory_space<vmem>>
        %dma_wait3A_264 = arith.constant 0 : i32
        %dma_wait3A_265 = tpu.memref_slice %arg9[%add3A_190, %dma_wait3A_264] : memref<40x128xi32, #tpu.memory_space<vmem>> -> memref<1x128xi32, #tpu.memory_space<vmem>>
        %dma_wait3A_266 = tpu.memref_squeeze %dma_wait3A_265 : memref<1x128xi32, #tpu.memory_space<vmem>> -> memref<128xi32, #tpu.memory_space<vmem>>
        %dma_wait3A_267 = arith.constant 0 : i32
        %dma_wait3A_268 = arith.constant 0 : i32
        %dma_wait3A_269 = tpu.memref_slice %arg11[%dma_wait3A_267, %dma_wait3A_268] : memref<10240x128xf32, #tpu.memory_space<vmem_shared>> -> memref<10240x128xf32, #tpu.memory_space<vmem_shared>>
        tpu.wait_indirect_dma semaphore(%run_scoped3A_249 : memref<!tpu.dma_semaphore, #tpu.memory_space<semaphore_mem>>) src(%dma_wait3A_263 : memref<128x128xf32, #tpu.memory_space<vmem>>) dst(%dma_wait3A_269 : memref<10240x128xf32, #tpu.memory_space<vmem_shared>>)
        tpu.yield
      }) : () -> ()
      %add3A_192 = arith.constant 2 : i32
      %add3A_193 = arith.addi %mul3A_170, %add3A_192 : i32
      %add3A_194 = arith.constant 0 : i32
      %add3A_195 = arith.addi %add3A_193, %add3A_194 : i32
      %dma_start3A_196 = arith.constant 0 : i32
      %dma_start3A_197 = arith.constant 0 : i32
      %dma_start3A_198 = arith.constant 0 : i32
      %dma_start3A_199 = arith.constant 0 : i32
      %dma_start3A_200 = tpu.memref_slice %arg10[%dma_start3A_196, %dma_start3A_198, %dma_start3A_199] : memref<2x128x128xf32, #tpu.memory_space<vmem>> -> memref<1x128x128xf32, #tpu.memory_space<vmem>>
      %dma_start3A_201 = tpu.memref_squeeze %dma_start3A_200 : memref<1x128x128xf32, #tpu.memory_space<vmem>> -> memref<128x128xf32, #tpu.memory_space<vmem>>
      %dma_start3A_202 = arith.constant 0 : i32
      %dma_start3A_203 = tpu.memref_slice %arg8[%add3A_195, %dma_start3A_202] : memref<40x128xi32, #tpu.memory_space<vmem>> -> memref<1x128xi32, #tpu.memory_space<vmem>>
      %dma_start3A_204 = tpu.memref_squeeze %dma_start3A_203 : memref<1x128xi32, #tpu.memory_space<vmem>> -> memref<128xi32, #tpu.memory_space<vmem>>
      %dma_start3A_205 = arith.constant 0 : i32
      %dma_start3A_206 = arith.constant 0 : i32
      %dma_start3A_207 = tpu.memref_slice %arg2[%dma_start3A_205, %dma_start3A_206] : memref<10000x128xf32, #tpu.memory_space<hbm>> -> memref<10000x128xf32, #tpu.memory_space<hbm>>
      %dma_start3A_208 = tpu.memref_slice %arg12[%dma_start3A_197] : memref<2x!tpu.dma_semaphore, #tpu.memory_space<semaphore_mem>> -> memref<1x!tpu.dma_semaphore, #tpu.memory_space<semaphore_mem>>
      %dma_start3A_209 = tpu.memref_squeeze %dma_start3A_208 : memref<1x!tpu.dma_semaphore, #tpu.memory_space<semaphore_mem>> -> memref<!tpu.dma_semaphore, #tpu.memory_space<semaphore_mem>>
      tpu.enqueue_indirect_dma source(%dma_start3A_207 : memref<10000x128xf32, #tpu.memory_space<hbm>>) target(%dma_start3A_201 : memref<128x128xf32, #tpu.memory_space<vmem>>) offsets(%dma_start3A_204 : memref<128xi32, #tpu.memory_space<vmem>>) semaphore(%dma_start3A_209 : memref<!tpu.dma_semaphore, #tpu.memory_space<semaphore_mem>>)
      %dma_wait3A_210 = arith.constant 1 : i32
      %dma_wait3A_211 = arith.constant 1 : i32
      %dma_wait3A_212 = arith.constant 0 : i32
      %dma_wait3A_213 = arith.constant 0 : i32
      %dma_wait3A_214 = tpu.memref_slice %arg10[%dma_wait3A_210, %dma_wait3A_212, %dma_wait3A_213] : memref<2x128x128xf32, #tpu.memory_space<vmem>> -> memref<1x128x128xf32, #tpu.memory_space<vmem>>
      %dma_wait3A_215 = tpu.memref_squeeze %dma_wait3A_214 : memref<1x128x128xf32, #tpu.memory_space<vmem>> -> memref<128x128xf32, #tpu.memory_space<vmem>>
      %dma_wait3A_216 = arith.constant 0 : i32
      %dma_wait3A_217 = arith.constant 0 : i32
      %dma_wait3A_218 = tpu.memref_slice %arg5[%dma_wait3A_216, %dma_wait3A_217] : memref<10240x128xf32, #tpu.memory_space<hbm>> -> memref<128x128xf32, #tpu.memory_space<hbm>>
      %dma_wait3A_219 = tpu.memref_slice %arg12[%dma_wait3A_211] : memref<2x!tpu.dma_semaphore, #tpu.memory_space<semaphore_mem>> -> memref<1x!tpu.dma_semaphore, #tpu.memory_space<semaphore_mem>>
      %dma_wait3A_220 = tpu.memref_squeeze %dma_wait3A_219 : memref<1x!tpu.dma_semaphore, #tpu.memory_space<semaphore_mem>> -> memref<!tpu.dma_semaphore, #tpu.memory_space<semaphore_mem>>
      %dma_wait3A_221 = arith.constant 0 : i32
      %dma_wait3A_222 = arith.constant 0 : i32
      %dma_wait3A_223 = tpu.memref_slice %arg10[%dma_wait3A_210, %dma_wait3A_221, %dma_wait3A_222] : memref<2x128x128xf32, #tpu.memory_space<vmem>> -> memref<1x128x128xf32, #tpu.memory_space<vmem>>
      %dma_wait3A_224 = tpu.memref_squeeze %dma_wait3A_223 : memref<1x128x128xf32, #tpu.memory_space<vmem>> -> memref<128x128xf32, #tpu.memory_space<vmem>>
      %dma_wait3A_225 = arith.constant 0 : i32
      %dma_wait3A_226 = arith.constant 0 : i32
      %dma_wait3A_227 = tpu.memref_slice %arg5[%dma_wait3A_225, %dma_wait3A_226] : memref<10240x128xf32, #tpu.memory_space<hbm>> -> memref<128x128xf32, #tpu.memory_space<hbm>>
      tpu.wait_dma2 semaphore(%dma_wait3A_220 : memref<!tpu.dma_semaphore, #tpu.memory_space<semaphore_mem>>) src(%dma_wait3A_227 : memref<128x128xf32, #tpu.memory_space<hbm>>) dst(%dma_wait3A_224 : memref<128x128xf32, #tpu.memory_space<vmem>>)
      %add3A_228 = arith.constant 1 : i32
      %add3A_229 = arith.addi %mul3A_170, %add3A_228 : i32
      %run_scoped3A_230 = arith.constant 1 : i32
      "tpu.region"() ({
        %run_scoped3A_249 = tpu.sem_alloc : memref<!tpu.dma_semaphore, #tpu.memory_space<semaphore_mem>>
        %dma_start3A_250 = arith.constant 0 : i32
        %dma_start3A_251 = arith.constant 0 : i32
        %dma_start3A_252 = tpu.memref_slice %arg10[%run_scoped3A_230, %dma_start3A_250, %dma_start3A_251] : memref<2x128x128xf32, #tpu.memory_space<vmem>> -> memref<1x128x128xf32, #tpu.memory_space<vmem>>
        %dma_start3A_253 = tpu.memref_squeeze %dma_start3A_252 : memref<1x128x128xf32, #tpu.memory_space<vmem>> -> memref<128x128xf32, #tpu.memory_space<vmem>>
        %dma_start3A_254 = arith.constant 0 : i32
        %dma_start3A_255 = tpu.memref_slice %arg9[%add3A_229, %dma_start3A_254] : memref<40x128xi32, #tpu.memory_space<vmem>> -> memref<1x128xi32, #tpu.memory_space<vmem>>
        %dma_start3A_256 = tpu.memref_squeeze %dma_start3A_255 : memref<1x128xi32, #tpu.memory_space<vmem>> -> memref<128xi32, #tpu.memory_space<vmem>>
        %dma_start3A_257 = arith.constant 0 : i32
        %dma_start3A_258 = arith.constant 0 : i32
        %dma_start3A_259 = tpu.memref_slice %arg11[%dma_start3A_257, %dma_start3A_258] : memref<10240x128xf32, #tpu.memory_space<vmem_shared>> -> memref<10240x128xf32, #tpu.memory_space<vmem_shared>>
        tpu.enqueue_indirect_dma source(%dma_start3A_253 : memref<128x128xf32, #tpu.memory_space<vmem>>) target(%dma_start3A_259 : memref<10240x128xf32, #tpu.memory_space<vmem_shared>>) offsets(%dma_start3A_256 : memref<128xi32, #tpu.memory_space<vmem>>) semaphore(%run_scoped3A_249 : memref<!tpu.dma_semaphore, #tpu.memory_space<semaphore_mem>>) {add = true}
        %dma_wait3A_260 = arith.constant 0 : i32
        %dma_wait3A_261 = arith.constant 0 : i32
        %dma_wait3A_262 = tpu.memref_slice %arg10[%run_scoped3A_230, %dma_wait3A_260, %dma_wait3A_261] : memref<2x128x128xf32, #tpu.memory_space<vmem>> -> memref<1x128x128xf32, #tpu.memory_space<vmem>>
        %dma_wait3A_263 = tpu.memref_squeeze %dma_wait3A_262 : memref<1x128x128xf32, #tpu.memory_space<vmem>> -> memref<128x128xf32, #tpu.memory_space<vmem>>
        %dma_wait3A_264 = arith.constant 0 : i32
        %dma_wait3A_265 = tpu.memref_slice %arg9[%add3A_229, %dma_wait3A_264] : memref<40x128xi32, #tpu.memory_space<vmem>> -> memref<1x128xi32, #tpu.memory_space<vmem>>
        %dma_wait3A_266 = tpu.memref_squeeze %dma_wait3A_265 : memref<1x128xi32, #tpu.memory_space<vmem>> -> memref<128xi32, #tpu.memory_space<vmem>>
        %dma_wait3A_267 = arith.constant 0 : i32
        %dma_wait3A_268 = arith.constant 0 : i32
        %dma_wait3A_269 = tpu.memref_slice %arg11[%dma_wait3A_267, %dma_wait3A_268] : memref<10240x128xf32, #tpu.memory_space<vmem_shared>> -> memref<10240x128xf32, #tpu.memory_space<vmem_shared>>
        tpu.wait_indirect_dma semaphore(%run_scoped3A_249 : memref<!tpu.dma_semaphore, #tpu.memory_space<semaphore_mem>>) src(%dma_wait3A_263 : memref<128x128xf32, #tpu.memory_space<vmem>>) dst(%dma_wait3A_269 : memref<10240x128xf32, #tpu.memory_space<vmem_shared>>)
        tpu.yield
      }) : () -> ()
      %add3A_231 = arith.constant 2 : i32
      %add3A_232 = arith.addi %mul3A_170, %add3A_231 : i32
      %add3A_233 = arith.constant 1 : i32
      %add3A_234 = arith.addi %add3A_232, %add3A_233 : i32
      %dma_start3A_235 = arith.constant 1 : i32
      %dma_start3A_236 = arith.constant 1 : i32
      %dma_start3A_237 = arith.constant 0 : i32
      %dma_start3A_238 = arith.constant 0 : i32
      %dma_start3A_239 = tpu.memref_slice %arg10[%dma_start3A_235, %dma_start3A_237, %dma_start3A_238] : memref<2x128x128xf32, #tpu.memory_space<vmem>> -> memref<1x128x128xf32, #tpu.memory_space<vmem>>
      %dma_start3A_240 = tpu.memref_squeeze %dma_start3A_239 : memref<1x128x128xf32, #tpu.memory_space<vmem>> -> memref<128x128xf32, #tpu.memory_space<vmem>>
      %dma_start3A_241 = arith.constant 0 : i32
      %dma_start3A_242 = tpu.memref_slice %arg8[%add3A_234, %dma_start3A_241] : memref<40x128xi32, #tpu.memory_space<vmem>> -> memref<1x128xi32, #tpu.memory_space<vmem>>
      %dma_start3A_243 = tpu.memref_squeeze %dma_start3A_242 : memref<1x128xi32, #tpu.memory_space<vmem>> -> memref<128xi32, #tpu.memory_space<vmem>>
      %dma_start3A_244 = arith.constant 0 : i32
      %dma_start3A_245 = arith.constant 0 : i32
      %dma_start3A_246 = tpu.memref_slice %arg2[%dma_start3A_244, %dma_start3A_245] : memref<10000x128xf32, #tpu.memory_space<hbm>> -> memref<10000x128xf32, #tpu.memory_space<hbm>>
      %dma_start3A_247 = tpu.memref_slice %arg12[%dma_start3A_236] : memref<2x!tpu.dma_semaphore, #tpu.memory_space<semaphore_mem>> -> memref<1x!tpu.dma_semaphore, #tpu.memory_space<semaphore_mem>>
      %dma_start3A_248 = tpu.memref_squeeze %dma_start3A_247 : memref<1x!tpu.dma_semaphore, #tpu.memory_space<semaphore_mem>> -> memref<!tpu.dma_semaphore, #tpu.memory_space<semaphore_mem>>
      tpu.enqueue_indirect_dma source(%dma_start3A_246 : memref<10000x128xf32, #tpu.memory_space<hbm>>) target(%dma_start3A_240 : memref<128x128xf32, #tpu.memory_space<vmem>>) offsets(%dma_start3A_243 : memref<128xi32, #tpu.memory_space<vmem>>) semaphore(%dma_start3A_248 : memref<!tpu.dma_semaphore, #tpu.memory_space<semaphore_mem>>)
    }
    %scan3A_40 = arith.constant 19 : i32
    %dma_wait3A = arith.constant 0 : i32
    %dma_wait3A_41 = arith.constant 0 : i32
    %dma_wait3A_42 = arith.constant 0 : i32
    %dma_wait3A_43 = arith.constant 0 : i32
    %dma_wait3A_44 = tpu.memref_slice %arg10[%dma_wait3A, %dma_wait3A_42, %dma_wait3A_43] : memref<2x128x128xf32, #tpu.memory_space<vmem>> -> memref<1x128x128xf32, #tpu.memory_space<vmem>>
    %dma_wait3A_45 = tpu.memref_squeeze %dma_wait3A_44 : memref<1x128x128xf32, #tpu.memory_space<vmem>> -> memref<128x128xf32, #tpu.memory_space<vmem>>
    %dma_wait3A_46 = arith.constant 0 : i32
    %dma_wait3A_47 = arith.constant 0 : i32
    %dma_wait3A_48 = tpu.memref_slice %arg5[%dma_wait3A_46, %dma_wait3A_47] : memref<10240x128xf32, #tpu.memory_space<hbm>> -> memref<128x128xf32, #tpu.memory_space<hbm>>
    %dma_wait3A_49 = tpu.memref_slice %arg12[%dma_wait3A_41] : memref<2x!tpu.dma_semaphore, #tpu.memory_space<semaphore_mem>> -> memref<1x!tpu.dma_semaphore, #tpu.memory_space<semaphore_mem>>
    %dma_wait3A_50 = tpu.memref_squeeze %dma_wait3A_49 : memref<1x!tpu.dma_semaphore, #tpu.memory_space<semaphore_mem>> -> memref<!tpu.dma_semaphore, #tpu.memory_space<semaphore_mem>>
    %dma_wait3A_51 = arith.constant 0 : i32
    %dma_wait3A_52 = arith.constant 0 : i32
    %dma_wait3A_53 = tpu.memref_slice %arg10[%dma_wait3A, %dma_wait3A_51, %dma_wait3A_52] : memref<2x128x128xf32, #tpu.memory_space<vmem>> -> memref<1x128x128xf32, #tpu.memory_space<vmem>>
    %dma_wait3A_54 = tpu.memref_squeeze %dma_wait3A_53 : memref<1x128x128xf32, #tpu.memory_space<vmem>> -> memref<128x128xf32, #tpu.memory_space<vmem>>
    %dma_wait3A_55 = arith.constant 0 : i32
    %dma_wait3A_56 = arith.constant 0 : i32
    %dma_wait3A_57 = tpu.memref_slice %arg5[%dma_wait3A_55, %dma_wait3A_56] : memref<10240x128xf32, #tpu.memory_space<hbm>> -> memref<128x128xf32, #tpu.memory_space<hbm>>
    tpu.wait_dma2 semaphore(%dma_wait3A_50 : memref<!tpu.dma_semaphore, #tpu.memory_space<semaphore_mem>>) src(%dma_wait3A_57 : memref<128x128xf32, #tpu.memory_space<hbm>>) dst(%dma_wait3A_54 : memref<128x128xf32, #tpu.memory_space<vmem>>)
    %run_scoped3A = arith.constant 0 : i32
    %run_scoped3A_58 = arith.constant 38 : i32
    "tpu.region"() ({
      %run_scoped3A_168 = tpu.sem_alloc : memref<!tpu.dma_semaphore, #tpu.memory_space<semaphore_mem>>
      %dma_start3A_169 = arith.constant 0 : i32
      %dma_start3A_170 = arith.constant 0 : i32
      %dma_start3A_171 = tpu.memref_slice %arg10[%run_scoped3A, %dma_start3A_169, %dma_start3A_170] : memref<2x128x128xf32, #tpu.memory_space<vmem>> -> memref<1x128x128xf32, #tpu.memory_space<vmem>>
      %dma_start3A_172 = tpu.memref_squeeze %dma_start3A_171 : memref<1x128x128xf32, #tpu.memory_space<vmem>> -> memref<128x128xf32, #tpu.memory_space<vmem>>
      %dma_start3A_173 = arith.constant 0 : i32
      %dma_start3A_174 = tpu.memref_slice %arg9[%run_scoped3A_58, %dma_start3A_173] : memref<40x128xi32, #tpu.memory_space<vmem>> -> memref<1x128xi32, #tpu.memory_space<vmem>>
      %dma_start3A_175 = tpu.memref_squeeze %dma_start3A_174 : memref<1x128xi32, #tpu.memory_space<vmem>> -> memref<128xi32, #tpu.memory_space<vmem>>
      %dma_start3A_176 = arith.constant 0 : i32
      %dma_start3A_177 = arith.constant 0 : i32
      %dma_start3A_178 = tpu.memref_slice %arg11[%dma_start3A_176, %dma_start3A_177] : memref<10240x128xf32, #tpu.memory_space<vmem_shared>> -> memref<10240x128xf32, #tpu.memory_space<vmem_shared>>
      tpu.enqueue_indirect_dma source(%dma_start3A_172 : memref<128x128xf32, #tpu.memory_space<vmem>>) target(%dma_start3A_178 : memref<10240x128xf32, #tpu.memory_space<vmem_shared>>) offsets(%dma_start3A_175 : memref<128xi32, #tpu.memory_space<vmem>>) semaphore(%run_scoped3A_168 : memref<!tpu.dma_semaphore, #tpu.memory_space<semaphore_mem>>) {add = true}
      %dma_wait3A_179 = arith.constant 0 : i32
      %dma_wait3A_180 = arith.constant 0 : i32
      %dma_wait3A_181 = tpu.memref_slice %arg10[%run_scoped3A, %dma_wait3A_179, %dma_wait3A_180] : memref<2x128x128xf32, #tpu.memory_space<vmem>> -> memref<1x128x128xf32, #tpu.memory_space<vmem>>
      %dma_wait3A_182 = tpu.memref_squeeze %dma_wait3A_181 : memref<1x128x128xf32, #tpu.memory_space<vmem>> -> memref<128x128xf32, #tpu.memory_space<vmem>>
      %dma_wait3A_183 = arith.constant 0 : i32
      %dma_wait3A_184 = tpu.memref_slice %arg9[%run_scoped3A_58, %dma_wait3A_183] : memref<40x128xi32, #tpu.memory_space<vmem>> -> memref<1x128xi32, #tpu.memory_space<vmem>>
      %dma_wait3A_185 = tpu.memref_squeeze %dma_wait3A_184 : memref<1x128xi32, #tpu.memory_space<vmem>> -> memref<128xi32, #tpu.memory_space<vmem>>
      %dma_wait3A_186 = arith.constant 0 : i32
      %dma_wait3A_187 = arith.constant 0 : i32
      %dma_wait3A_188 = tpu.memref_slice %arg11[%dma_wait3A_186, %dma_wait3A_187] : memref<10240x128xf32, #tpu.memory_space<vmem_shared>> -> memref<10240x128xf32, #tpu.memory_space<vmem_shared>>
      tpu.wait_indirect_dma semaphore(%run_scoped3A_168 : memref<!tpu.dma_semaphore, #tpu.memory_space<semaphore_mem>>) src(%dma_wait3A_182 : memref<128x128xf32, #tpu.memory_space<vmem>>) dst(%dma_wait3A_188 : memref<10240x128xf32, #tpu.memory_space<vmem_shared>>)
      tpu.yield
    }) : () -> ()
    %dma_wait3A_59 = arith.constant 1 : i32
    %dma_wait3A_60 = arith.constant 1 : i32
    %dma_wait3A_61 = arith.constant 0 : i32
    %dma_wait3A_62 = arith.constant 0 : i32
    %dma_wait3A_63 = tpu.memref_slice %arg10[%dma_wait3A_59, %dma_wait3A_61, %dma_wait3A_62] : memref<2x128x128xf32, #tpu.memory_space<vmem>> -> memref<1x128x128xf32, #tpu.memory_space<vmem>>
    %dma_wait3A_64 = tpu.memref_squeeze %dma_wait3A_63 : memref<1x128x128xf32, #tpu.memory_space<vmem>> -> memref<128x128xf32, #tpu.memory_space<vmem>>
    %dma_wait3A_65 = arith.constant 0 : i32
    %dma_wait3A_66 = arith.constant 0 : i32
    %dma_wait3A_67 = tpu.memref_slice %arg5[%dma_wait3A_65, %dma_wait3A_66] : memref<10240x128xf32, #tpu.memory_space<hbm>> -> memref<128x128xf32, #tpu.memory_space<hbm>>
    %dma_wait3A_68 = tpu.memref_slice %arg12[%dma_wait3A_60] : memref<2x!tpu.dma_semaphore, #tpu.memory_space<semaphore_mem>> -> memref<1x!tpu.dma_semaphore, #tpu.memory_space<semaphore_mem>>
    %dma_wait3A_69 = tpu.memref_squeeze %dma_wait3A_68 : memref<1x!tpu.dma_semaphore, #tpu.memory_space<semaphore_mem>> -> memref<!tpu.dma_semaphore, #tpu.memory_space<semaphore_mem>>
    %dma_wait3A_70 = arith.constant 0 : i32
    %dma_wait3A_71 = arith.constant 0 : i32
    %dma_wait3A_72 = tpu.memref_slice %arg10[%dma_wait3A_59, %dma_wait3A_70, %dma_wait3A_71] : memref<2x128x128xf32, #tpu.memory_space<vmem>> -> memref<1x128x128xf32, #tpu.memory_space<vmem>>
    %dma_wait3A_73 = tpu.memref_squeeze %dma_wait3A_72 : memref<1x128x128xf32, #tpu.memory_space<vmem>> -> memref<128x128xf32, #tpu.memory_space<vmem>>
    %dma_wait3A_74 = arith.constant 0 : i32
    %dma_wait3A_75 = arith.constant 0 : i32
    %dma_wait3A_76 = tpu.memref_slice %arg5[%dma_wait3A_74, %dma_wait3A_75] : memref<10240x128xf32, #tpu.memory_space<hbm>> -> memref<128x128xf32, #tpu.memory_space<hbm>>
    tpu.wait_dma2 semaphore(%dma_wait3A_69 : memref<!tpu.dma_semaphore, #tpu.memory_space<semaphore_mem>>) src(%dma_wait3A_76 : memref<128x128xf32, #tpu.memory_space<hbm>>) dst(%dma_wait3A_73 : memref<128x128xf32, #tpu.memory_space<vmem>>)
    %run_scoped3A_77 = arith.constant 1 : i32
    %run_scoped3A_78 = arith.constant 39 : i32
    "tpu.region"() ({
      %run_scoped3A_168 = tpu.sem_alloc : memref<!tpu.dma_semaphore, #tpu.memory_space<semaphore_mem>>
      %dma_start3A_169 = arith.constant 0 : i32
      %dma_start3A_170 = arith.constant 0 : i32
      %dma_start3A_171 = tpu.memref_slice %arg10[%run_scoped3A_77, %dma_start3A_169, %dma_start3A_170] : memref<2x128x128xf32, #tpu.memory_space<vmem>> -> memref<1x128x128xf32, #tpu.memory_space<vmem>>
      %dma_start3A_172 = tpu.memref_squeeze %dma_start3A_171 : memref<1x128x128xf32, #tpu.memory_space<vmem>> -> memref<128x128xf32, #tpu.memory_space<vmem>>
      %dma_start3A_173 = arith.constant 0 : i32
      %dma_start3A_174 = tpu.memref_slice %arg9[%run_scoped3A_78, %dma_start3A_173] : memref<40x128xi32, #tpu.memory_space<vmem>> -> memref<1x128xi32, #tpu.memory_space<vmem>>
      %dma_start3A_175 = tpu.memref_squeeze %dma_start3A_174 : memref<1x128xi32, #tpu.memory_space<vmem>> -> memref<128xi32, #tpu.memory_space<vmem>>
      %dma_start3A_176 = arith.constant 0 : i32
      %dma_start3A_177 = arith.constant 0 : i32
      %dma_start3A_178 = tpu.memref_slice %arg11[%dma_start3A_176, %dma_start3A_177] : memref<10240x128xf32, #tpu.memory_space<vmem_shared>> -> memref<10240x128xf32, #tpu.memory_space<vmem_shared>>
      tpu.enqueue_indirect_dma source(%dma_start3A_172 : memref<128x128xf32, #tpu.memory_space<vmem>>) target(%dma_start3A_178 : memref<10240x128xf32, #tpu.memory_space<vmem_shared>>) offsets(%dma_start3A_175 : memref<128xi32, #tpu.memory_space<vmem>>) semaphore(%run_scoped3A_168 : memref<!tpu.dma_semaphore, #tpu.memory_space<semaphore_mem>>) {add = true}
      %dma_wait3A_179 = arith.constant 0 : i32
      %dma_wait3A_180 = arith.constant 0 : i32
      %dma_wait3A_181 = tpu.memref_slice %arg10[%run_scoped3A_77, %dma_wait3A_179, %dma_wait3A_180] : memref<2x128x128xf32, #tpu.memory_space<vmem>> -> memref<1x128x128xf32, #tpu.memory_space<vmem>>
      %dma_wait3A_182 = tpu.memref_squeeze %dma_wait3A_181 : memref<1x128x128xf32, #tpu.memory_space<vmem>> -> memref<128x128xf32, #tpu.memory_space<vmem>>
      %dma_wait3A_183 = arith.constant 0 : i32
      %dma_wait3A_184 = tpu.memref_slice %arg9[%run_scoped3A_78, %dma_wait3A_183] : memref<40x128xi32, #tpu.memory_space<vmem>> -> memref<1x128xi32, #tpu.memory_space<vmem>>
      %dma_wait3A_185 = tpu.memref_squeeze %dma_wait3A_184 : memref<1x128xi32, #tpu.memory_space<vmem>> -> memref<128xi32, #tpu.memory_space<vmem>>
      %dma_wait3A_186 = arith.constant 0 : i32
      %dma_wait3A_187 = arith.constant 0 : i32
      %dma_wait3A_188 = tpu.memref_slice %arg11[%dma_wait3A_186, %dma_wait3A_187] : memref<10240x128xf32, #tpu.memory_space<vmem_shared>> -> memref<10240x128xf32, #tpu.memory_space<vmem_shared>>
      tpu.wait_indirect_dma semaphore(%run_scoped3A_168 : memref<!tpu.dma_semaphore, #tpu.memory_space<semaphore_mem>>) src(%dma_wait3A_182 : memref<128x128xf32, #tpu.memory_space<vmem>>) dst(%dma_wait3A_188 : memref<10240x128xf32, #tpu.memory_space<vmem_shared>>)
      tpu.yield
    }) : () -> ()
    %mul3A_79 = arith.constant 80 : i32
    %mul3A_80 = arith.muli %add3A, %mul3A_79 : i32
    %add3A_81 = arith.constant 40 : i32
    %add3A_82 = arith.addi %mul3A_80, %add3A_81 : i32
    %multiple_of3A_83 = tpu.assume_multiple %add3A_82, 8 : i32
    "tpu.region"() ({
      %run_scoped3A_168 = tpu.sem_alloc : memref<!tpu.dma_semaphore, #tpu.memory_space<semaphore_mem>>
      %dma_start3A_169 = arith.constant 0 : i32
      %dma_start3A_170 = tpu.memref_slice %arg3[%multiple_of3A_83, %dma_start3A_169] : memref<2560x128xi32, #tpu.memory_space<hbm>> -> memref<40x128xi32, #tpu.memory_space<hbm>>
      %dma_start3A_171 = arith.constant 0 : i32
      %dma_start3A_172 = tpu.memref_slice %arg3[%multiple_of3A_83, %dma_start3A_171] : memref<2560x128xi32, #tpu.memory_space<hbm>> -> memref<40x128xi32, #tpu.memory_space<hbm>>
      tpu.enqueue_dma source(%dma_start3A_172 : memref<40x128xi32, #tpu.memory_space<hbm>>) target(%arg8 : memref<40x128xi32, #tpu.memory_space<vmem>>) target_semaphore(%run_scoped3A_168 : memref<!tpu.dma_semaphore, #tpu.memory_space<semaphore_mem>>)
      %dma_wait3A_173 = arith.constant 0 : i32
      %dma_wait3A_174 = tpu.memref_slice %arg3[%multiple_of3A_83, %dma_wait3A_173] : memref<2560x128xi32, #tpu.memory_space<hbm>> -> memref<40x128xi32, #tpu.memory_space<hbm>>
      %dma_wait3A_175 = arith.constant 0 : i32
      %dma_wait3A_176 = tpu.memref_slice %arg3[%multiple_of3A_83, %dma_wait3A_175] : memref<2560x128xi32, #tpu.memory_space<hbm>> -> memref<40x128xi32, #tpu.memory_space<hbm>>
      tpu.wait_dma2 semaphore(%run_scoped3A_168 : memref<!tpu.dma_semaphore, #tpu.memory_space<semaphore_mem>>) src(%dma_wait3A_176 : memref<40x128xi32, #tpu.memory_space<hbm>>) dst(%arg8 : memref<40x128xi32, #tpu.memory_space<vmem>>)
      tpu.yield
    }) : () -> ()
    "tpu.region"() ({
      %run_scoped3A_168 = tpu.sem_alloc : memref<!tpu.dma_semaphore, #tpu.memory_space<semaphore_mem>>
      %dma_start3A_169 = arith.constant 0 : i32
      %dma_start3A_170 = tpu.memref_slice %arg4[%multiple_of3A_83, %dma_start3A_169] : memref<2560x128xi32, #tpu.memory_space<hbm>> -> memref<40x128xi32, #tpu.memory_space<hbm>>
      %dma_start3A_171 = arith.constant 0 : i32
      %dma_start3A_172 = tpu.memref_slice %arg4[%multiple_of3A_83, %dma_start3A_171] : memref<2560x128xi32, #tpu.memory_space<hbm>> -> memref<40x128xi32, #tpu.memory_space<hbm>>
      tpu.enqueue_dma source(%dma_start3A_172 : memref<40x128xi32, #tpu.memory_space<hbm>>) target(%arg9 : memref<40x128xi32, #tpu.memory_space<vmem>>) target_semaphore(%run_scoped3A_168 : memref<!tpu.dma_semaphore, #tpu.memory_space<semaphore_mem>>)
      %dma_wait3A_173 = arith.constant 0 : i32
      %dma_wait3A_174 = tpu.memref_slice %arg4[%multiple_of3A_83, %dma_wait3A_173] : memref<2560x128xi32, #tpu.memory_space<hbm>> -> memref<40x128xi32, #tpu.memory_space<hbm>>
      %dma_wait3A_175 = arith.constant 0 : i32
      %dma_wait3A_176 = tpu.memref_slice %arg4[%multiple_of3A_83, %dma_wait3A_175] : memref<2560x128xi32, #tpu.memory_space<hbm>> -> memref<40x128xi32, #tpu.memory_space<hbm>>
      tpu.wait_dma2 semaphore(%run_scoped3A_168 : memref<!tpu.dma_semaphore, #tpu.memory_space<semaphore_mem>>) src(%dma_wait3A_176 : memref<40x128xi32, #tpu.memory_space<hbm>>) dst(%arg9 : memref<40x128xi32, #tpu.memory_space<vmem>>)
      tpu.yield
    }) : () -> ()
    %dma_start3A_84 = arith.constant 0 : i32
    %dma_start3A_85 = arith.constant 0 : i32
    %dma_start3A_86 = arith.constant 0 : i32
    %dma_start3A_87 = arith.constant 0 : i32
    %dma_start3A_88 = arith.constant 0 : i32
    %dma_start3A_89 = tpu.memref_slice %arg10[%dma_start3A_85, %dma_start3A_87, %dma_start3A_88] : memref<2x128x128xf32, #tpu.memory_space<vmem>> -> memref<1x128x128xf32, #tpu.memory_space<vmem>>
    %dma_start3A_90 = tpu.memref_squeeze %dma_start3A_89 : memref<1x128x128xf32, #tpu.memory_space<vmem>> -> memref<128x128xf32, #tpu.memory_space<vmem>>
    %dma_start3A_91 = arith.constant 0 : i32
    %dma_start3A_92 = tpu.memref_slice %arg8[%dma_start3A_84, %dma_start3A_91] : memref<40x128xi32, #tpu.memory_space<vmem>> -> memref<1x128xi32, #tpu.memory_space<vmem>>
    %dma_start3A_93 = tpu.memref_squeeze %dma_start3A_92 : memref<1x128xi32, #tpu.memory_space<vmem>> -> memref<128xi32, #tpu.memory_space<vmem>>
    %dma_start3A_94 = arith.constant 0 : i32
    %dma_start3A_95 = arith.constant 0 : i32
    %dma_start3A_96 = tpu.memref_slice %arg2[%dma_start3A_94, %dma_start3A_95] : memref<10000x128xf32, #tpu.memory_space<hbm>> -> memref<10000x128xf32, #tpu.memory_space<hbm>>
    %dma_start3A_97 = tpu.memref_slice %arg12[%dma_start3A_86] : memref<2x!tpu.dma_semaphore, #tpu.memory_space<semaphore_mem>> -> memref<1x!tpu.dma_semaphore, #tpu.memory_space<semaphore_mem>>
    %dma_start3A_98 = tpu.memref_squeeze %dma_start3A_97 : memref<1x!tpu.dma_semaphore, #tpu.memory_space<semaphore_mem>> -> memref<!tpu.dma_semaphore, #tpu.memory_space<semaphore_mem>>
    tpu.enqueue_indirect_dma source(%dma_start3A_96 : memref<10000x128xf32, #tpu.memory_space<hbm>>) target(%dma_start3A_90 : memref<128x128xf32, #tpu.memory_space<vmem>>) offsets(%dma_start3A_93 : memref<128xi32, #tpu.memory_space<vmem>>) semaphore(%dma_start3A_98 : memref<!tpu.dma_semaphore, #tpu.memory_space<semaphore_mem>>)
    %dma_start3A_99 = arith.constant 1 : i32
    %dma_start3A_100 = arith.constant 1 : i32
    %dma_start3A_101 = arith.constant 1 : i32
    %dma_start3A_102 = arith.constant 0 : i32
    %dma_start3A_103 = arith.constant 0 : i32
    %dma_start3A_104 = tpu.memref_slice %arg10[%dma_start3A_100, %dma_start3A_102, %dma_start3A_103] : memref<2x128x128xf32, #tpu.memory_space<vmem>> -> memref<1x128x128xf32, #tpu.memory_space<vmem>>
    %dma_start3A_105 = tpu.memref_squeeze %dma_start3A_104 : memref<1x128x128xf32, #tpu.memory_space<vmem>> -> memref<128x128xf32, #tpu.memory_space<vmem>>
    %dma_start3A_106 = arith.constant 0 : i32
    %dma_start3A_107 = tpu.memref_slice %arg8[%dma_start3A_99, %dma_start3A_106] : memref<40x128xi32, #tpu.memory_space<vmem>> -> memref<1x128xi32, #tpu.memory_space<vmem>>
    %dma_start3A_108 = tpu.memref_squeeze %dma_start3A_107 : memref<1x128xi32, #tpu.memory_space<vmem>> -> memref<128xi32, #tpu.memory_space<vmem>>
    %dma_start3A_109 = arith.constant 0 : i32
    %dma_start3A_110 = arith.constant 0 : i32
    %dma_start3A_111 = tpu.memref_slice %arg2[%dma_start3A_109, %dma_start3A_110] : memref<10000x128xf32, #tpu.memory_space<hbm>> -> memref<10000x128xf32, #tpu.memory_space<hbm>>
    %dma_start3A_112 = tpu.memref_slice %arg12[%dma_start3A_101] : memref<2x!tpu.dma_semaphore, #tpu.memory_space<semaphore_mem>> -> memref<1x!tpu.dma_semaphore, #tpu.memory_space<semaphore_mem>>
    %dma_start3A_113 = tpu.memref_squeeze %dma_start3A_112 : memref<1x!tpu.dma_semaphore, #tpu.memory_space<semaphore_mem>> -> memref<!tpu.dma_semaphore, #tpu.memory_space<semaphore_mem>>
    tpu.enqueue_indirect_dma source(%dma_start3A_111 : memref<10000x128xf32, #tpu.memory_space<hbm>>) target(%dma_start3A_105 : memref<128x128xf32, #tpu.memory_space<vmem>>) offsets(%dma_start3A_108 : memref<128xi32, #tpu.memory_space<vmem>>) semaphore(%dma_start3A_113 : memref<!tpu.dma_semaphore, #tpu.memory_space<semaphore_mem>>)
    %scan3A_114 = arith.constant 0 : i32
    %scan3A_115 = arith.constant 0 : i32
    %scan3A_116 = arith.constant 19 : i32
    %scan3A_117 = arith.addi %scan3A_115, %scan3A_116 : i32
    %scan3A_118 = arith.constant 1 : i32
    scf.for %scan3A_168 = %scan3A_115 to %scan3A_117 step %scan3A_118  : i32 {
      %mul3A_169 = arith.constant 2 : i32
      %mul3A_170 = arith.muli %scan3A_168, %mul3A_169 : i32
      %dma_wait3A_171 = arith.constant 0 : i32
      %dma_wait3A_172 = arith.constant 0 : i32
      %dma_wait3A_173 = arith.constant 0 : i32
      %dma_wait3A_174 = arith.constant 0 : i32
      %dma_wait3A_175 = tpu.memref_slice %arg10[%dma_wait3A_171, %dma_wait3A_173, %dma_wait3A_174] : memref<2x128x128xf32, #tpu.memory_space<vmem>> -> memref<1x128x128xf32, #tpu.memory_space<vmem>>
      %dma_wait3A_176 = tpu.memref_squeeze %dma_wait3A_175 : memref<1x128x128xf32, #tpu.memory_space<vmem>> -> memref<128x128xf32, #tpu.memory_space<vmem>>
      %dma_wait3A_177 = arith.constant 0 : i32
      %dma_wait3A_178 = arith.constant 0 : i32
      %dma_wait3A_179 = tpu.memref_slice %arg5[%dma_wait3A_177, %dma_wait3A_178] : memref<10240x128xf32, #tpu.memory_space<hbm>> -> memref<128x128xf32, #tpu.memory_space<hbm>>
      %dma_wait3A_180 = tpu.memref_slice %arg12[%dma_wait3A_172] : memref<2x!tpu.dma_semaphore, #tpu.memory_space<semaphore_mem>> -> memref<1x!tpu.dma_semaphore, #tpu.memory_space<semaphore_mem>>
      %dma_wait3A_181 = tpu.memref_squeeze %dma_wait3A_180 : memref<1x!tpu.dma_semaphore, #tpu.memory_space<semaphore_mem>> -> memref<!tpu.dma_semaphore, #tpu.memory_space<semaphore_mem>>
      %dma_wait3A_182 = arith.constant 0 : i32
      %dma_wait3A_183 = arith.constant 0 : i32
      %dma_wait3A_184 = tpu.memref_slice %arg10[%dma_wait3A_171, %dma_wait3A_182, %dma_wait3A_183] : memref<2x128x128xf32, #tpu.memory_space<vmem>> -> memref<1x128x128xf32, #tpu.memory_space<vmem>>
      %dma_wait3A_185 = tpu.memref_squeeze %dma_wait3A_184 : memref<1x128x128xf32, #tpu.memory_space<vmem>> -> memref<128x128xf32, #tpu.memory_space<vmem>>
      %dma_wait3A_186 = arith.constant 0 : i32
      %dma_wait3A_187 = arith.constant 0 : i32
      %dma_wait3A_188 = tpu.memref_slice %arg5[%dma_wait3A_186, %dma_wait3A_187] : memref<10240x128xf32, #tpu.memory_space<hbm>> -> memref<128x128xf32, #tpu.memory_space<hbm>>
      tpu.wait_dma2 semaphore(%dma_wait3A_181 : memref<!tpu.dma_semaphore, #tpu.memory_space<semaphore_mem>>) src(%dma_wait3A_188 : memref<128x128xf32, #tpu.memory_space<hbm>>) dst(%dma_wait3A_185 : memref<128x128xf32, #tpu.memory_space<vmem>>)
      %add3A_189 = arith.constant 0 : i32
      %add3A_190 = arith.addi %mul3A_170, %add3A_189 : i32
      %run_scoped3A_191 = arith.constant 0 : i32
      "tpu.region"() ({
        %run_scoped3A_249 = tpu.sem_alloc : memref<!tpu.dma_semaphore, #tpu.memory_space<semaphore_mem>>
        %dma_start3A_250 = arith.constant 0 : i32
        %dma_start3A_251 = arith.constant 0 : i32
        %dma_start3A_252 = tpu.memref_slice %arg10[%run_scoped3A_191, %dma_start3A_250, %dma_start3A_251] : memref<2x128x128xf32, #tpu.memory_space<vmem>> -> memref<1x128x128xf32, #tpu.memory_space<vmem>>
        %dma_start3A_253 = tpu.memref_squeeze %dma_start3A_252 : memref<1x128x128xf32, #tpu.memory_space<vmem>> -> memref<128x128xf32, #tpu.memory_space<vmem>>
        %dma_start3A_254 = arith.constant 0 : i32
        %dma_start3A_255 = tpu.memref_slice %arg9[%add3A_190, %dma_start3A_254] : memref<40x128xi32, #tpu.memory_space<vmem>> -> memref<1x128xi32, #tpu.memory_space<vmem>>
        %dma_start3A_256 = tpu.memref_squeeze %dma_start3A_255 : memref<1x128xi32, #tpu.memory_space<vmem>> -> memref<128xi32, #tpu.memory_space<vmem>>
        %dma_start3A_257 = arith.constant 0 : i32
        %dma_start3A_258 = arith.constant 0 : i32
        %dma_start3A_259 = tpu.memref_slice %arg11[%dma_start3A_257, %dma_start3A_258] : memref<10240x128xf32, #tpu.memory_space<vmem_shared>> -> memref<10240x128xf32, #tpu.memory_space<vmem_shared>>
        tpu.enqueue_indirect_dma source(%dma_start3A_253 : memref<128x128xf32, #tpu.memory_space<vmem>>) target(%dma_start3A_259 : memref<10240x128xf32, #tpu.memory_space<vmem_shared>>) offsets(%dma_start3A_256 : memref<128xi32, #tpu.memory_space<vmem>>) semaphore(%run_scoped3A_249 : memref<!tpu.dma_semaphore, #tpu.memory_space<semaphore_mem>>) {add = true}
        %dma_wait3A_260 = arith.constant 0 : i32
        %dma_wait3A_261 = arith.constant 0 : i32
        %dma_wait3A_262 = tpu.memref_slice %arg10[%run_scoped3A_191, %dma_wait3A_260, %dma_wait3A_261] : memref<2x128x128xf32, #tpu.memory_space<vmem>> -> memref<1x128x128xf32, #tpu.memory_space<vmem>>
        %dma_wait3A_263 = tpu.memref_squeeze %dma_wait3A_262 : memref<1x128x128xf32, #tpu.memory_space<vmem>> -> memref<128x128xf32, #tpu.memory_space<vmem>>
        %dma_wait3A_264 = arith.constant 0 : i32
        %dma_wait3A_265 = tpu.memref_slice %arg9[%add3A_190, %dma_wait3A_264] : memref<40x128xi32, #tpu.memory_space<vmem>> -> memref<1x128xi32, #tpu.memory_space<vmem>>
        %dma_wait3A_266 = tpu.memref_squeeze %dma_wait3A_265 : memref<1x128xi32, #tpu.memory_space<vmem>> -> memref<128xi32, #tpu.memory_space<vmem>>
        %dma_wait3A_267 = arith.constant 0 : i32
        %dma_wait3A_268 = arith.constant 0 : i32
        %dma_wait3A_269 = tpu.memref_slice %arg11[%dma_wait3A_267, %dma_wait3A_268] : memref<10240x128xf32, #tpu.memory_space<vmem_shared>> -> memref<10240x128xf32, #tpu.memory_space<vmem_shared>>
        tpu.wait_indirect_dma semaphore(%run_scoped3A_249 : memref<!tpu.dma_semaphore, #tpu.memory_space<semaphore_mem>>) src(%dma_wait3A_263 : memref<128x128xf32, #tpu.memory_space<vmem>>) dst(%dma_wait3A_269 : memref<10240x128xf32, #tpu.memory_space<vmem_shared>>)
        tpu.yield
      }) : () -> ()
      %add3A_192 = arith.constant 2 : i32
      %add3A_193 = arith.addi %mul3A_170, %add3A_192 : i32
      %add3A_194 = arith.constant 0 : i32
      %add3A_195 = arith.addi %add3A_193, %add3A_194 : i32
      %dma_start3A_196 = arith.constant 0 : i32
      %dma_start3A_197 = arith.constant 0 : i32
      %dma_start3A_198 = arith.constant 0 : i32
      %dma_start3A_199 = arith.constant 0 : i32
      %dma_start3A_200 = tpu.memref_slice %arg10[%dma_start3A_196, %dma_start3A_198, %dma_start3A_199] : memref<2x128x128xf32, #tpu.memory_space<vmem>> -> memref<1x128x128xf32, #tpu.memory_space<vmem>>
      %dma_start3A_201 = tpu.memref_squeeze %dma_start3A_200 : memref<1x128x128xf32, #tpu.memory_space<vmem>> -> memref<128x128xf32, #tpu.memory_space<vmem>>
      %dma_start3A_202 = arith.constant 0 : i32
      %dma_start3A_203 = tpu.memref_slice %arg8[%add3A_195, %dma_start3A_202] : memref<40x128xi32, #tpu.memory_space<vmem>> -> memref<1x128xi32, #tpu.memory_space<vmem>>
      %dma_start3A_204 = tpu.memref_squeeze %dma_start3A_203 : memref<1x128xi32, #tpu.memory_space<vmem>> -> memref<128xi32, #tpu.memory_space<vmem>>
      %dma_start3A_205 = arith.constant 0 : i32
      %dma_start3A_206 = arith.constant 0 : i32
      %dma_start3A_207 = tpu.memref_slice %arg2[%dma_start3A_205, %dma_start3A_206] : memref<10000x128xf32, #tpu.memory_space<hbm>> -> memref<10000x128xf32, #tpu.memory_space<hbm>>
      %dma_start3A_208 = tpu.memref_slice %arg12[%dma_start3A_197] : memref<2x!tpu.dma_semaphore, #tpu.memory_space<semaphore_mem>> -> memref<1x!tpu.dma_semaphore, #tpu.memory_space<semaphore_mem>>
      %dma_start3A_209 = tpu.memref_squeeze %dma_start3A_208 : memref<1x!tpu.dma_semaphore, #tpu.memory_space<semaphore_mem>> -> memref<!tpu.dma_semaphore, #tpu.memory_space<semaphore_mem>>
      tpu.enqueue_indirect_dma source(%dma_start3A_207 : memref<10000x128xf32, #tpu.memory_space<hbm>>) target(%dma_start3A_201 : memref<128x128xf32, #tpu.memory_space<vmem>>) offsets(%dma_start3A_204 : memref<128xi32, #tpu.memory_space<vmem>>) semaphore(%dma_start3A_209 : memref<!tpu.dma_semaphore, #tpu.memory_space<semaphore_mem>>)
      %dma_wait3A_210 = arith.constant 1 : i32
      %dma_wait3A_211 = arith.constant 1 : i32
      %dma_wait3A_212 = arith.constant 0 : i32
      %dma_wait3A_213 = arith.constant 0 : i32
      %dma_wait3A_214 = tpu.memref_slice %arg10[%dma_wait3A_210, %dma_wait3A_212, %dma_wait3A_213] : memref<2x128x128xf32, #tpu.memory_space<vmem>> -> memref<1x128x128xf32, #tpu.memory_space<vmem>>
      %dma_wait3A_215 = tpu.memref_squeeze %dma_wait3A_214 : memref<1x128x128xf32, #tpu.memory_space<vmem>> -> memref<128x128xf32, #tpu.memory_space<vmem>>
      %dma_wait3A_216 = arith.constant 0 : i32
      %dma_wait3A_217 = arith.constant 0 : i32
      %dma_wait3A_218 = tpu.memref_slice %arg5[%dma_wait3A_216, %dma_wait3A_217] : memref<10240x128xf32, #tpu.memory_space<hbm>> -> memref<128x128xf32, #tpu.memory_space<hbm>>
      %dma_wait3A_219 = tpu.memref_slice %arg12[%dma_wait3A_211] : memref<2x!tpu.dma_semaphore, #tpu.memory_space<semaphore_mem>> -> memref<1x!tpu.dma_semaphore, #tpu.memory_space<semaphore_mem>>
      %dma_wait3A_220 = tpu.memref_squeeze %dma_wait3A_219 : memref<1x!tpu.dma_semaphore, #tpu.memory_space<semaphore_mem>> -> memref<!tpu.dma_semaphore, #tpu.memory_space<semaphore_mem>>
      %dma_wait3A_221 = arith.constant 0 : i32
      %dma_wait3A_222 = arith.constant 0 : i32
      %dma_wait3A_223 = tpu.memref_slice %arg10[%dma_wait3A_210, %dma_wait3A_221, %dma_wait3A_222] : memref<2x128x128xf32, #tpu.memory_space<vmem>> -> memref<1x128x128xf32, #tpu.memory_space<vmem>>
      %dma_wait3A_224 = tpu.memref_squeeze %dma_wait3A_223 : memref<1x128x128xf32, #tpu.memory_space<vmem>> -> memref<128x128xf32, #tpu.memory_space<vmem>>
      %dma_wait3A_225 = arith.constant 0 : i32
      %dma_wait3A_226 = arith.constant 0 : i32
      %dma_wait3A_227 = tpu.memref_slice %arg5[%dma_wait3A_225, %dma_wait3A_226] : memref<10240x128xf32, #tpu.memory_space<hbm>> -> memref<128x128xf32, #tpu.memory_space<hbm>>
      tpu.wait_dma2 semaphore(%dma_wait3A_220 : memref<!tpu.dma_semaphore, #tpu.memory_space<semaphore_mem>>) src(%dma_wait3A_227 : memref<128x128xf32, #tpu.memory_space<hbm>>) dst(%dma_wait3A_224 : memref<128x128xf32, #tpu.memory_space<vmem>>)
      %add3A_228 = arith.constant 1 : i32
      %add3A_229 = arith.addi %mul3A_170, %add3A_228 : i32
      %run_scoped3A_230 = arith.constant 1 : i32
      "tpu.region"() ({
        %run_scoped3A_249 = tpu.sem_alloc : memref<!tpu.dma_semaphore, #tpu.memory_space<semaphore_mem>>
        %dma_start3A_250 = arith.constant 0 : i32
        %dma_start3A_251 = arith.constant 0 : i32
        %dma_start3A_252 = tpu.memref_slice %arg10[%run_scoped3A_230, %dma_start3A_250, %dma_start3A_251] : memref<2x128x128xf32, #tpu.memory_space<vmem>> -> memref<1x128x128xf32, #tpu.memory_space<vmem>>
        %dma_start3A_253 = tpu.memref_squeeze %dma_start3A_252 : memref<1x128x128xf32, #tpu.memory_space<vmem>> -> memref<128x128xf32, #tpu.memory_space<vmem>>
        %dma_start3A_254 = arith.constant 0 : i32
        %dma_start3A_255 = tpu.memref_slice %arg9[%add3A_229, %dma_start3A_254] : memref<40x128xi32, #tpu.memory_space<vmem>> -> memref<1x128xi32, #tpu.memory_space<vmem>>
        %dma_start3A_256 = tpu.memref_squeeze %dma_start3A_255 : memref<1x128xi32, #tpu.memory_space<vmem>> -> memref<128xi32, #tpu.memory_space<vmem>>
        %dma_start3A_257 = arith.constant 0 : i32
        %dma_start3A_258 = arith.constant 0 : i32
        %dma_start3A_259 = tpu.memref_slice %arg11[%dma_start3A_257, %dma_start3A_258] : memref<10240x128xf32, #tpu.memory_space<vmem_shared>> -> memref<10240x128xf32, #tpu.memory_space<vmem_shared>>
        tpu.enqueue_indirect_dma source(%dma_start3A_253 : memref<128x128xf32, #tpu.memory_space<vmem>>) target(%dma_start3A_259 : memref<10240x128xf32, #tpu.memory_space<vmem_shared>>) offsets(%dma_start3A_256 : memref<128xi32, #tpu.memory_space<vmem>>) semaphore(%run_scoped3A_249 : memref<!tpu.dma_semaphore, #tpu.memory_space<semaphore_mem>>) {add = true}
        %dma_wait3A_260 = arith.constant 0 : i32
        %dma_wait3A_261 = arith.constant 0 : i32
        %dma_wait3A_262 = tpu.memref_slice %arg10[%run_scoped3A_230, %dma_wait3A_260, %dma_wait3A_261] : memref<2x128x128xf32, #tpu.memory_space<vmem>> -> memref<1x128x128xf32, #tpu.memory_space<vmem>>
        %dma_wait3A_263 = tpu.memref_squeeze %dma_wait3A_262 : memref<1x128x128xf32, #tpu.memory_space<vmem>> -> memref<128x128xf32, #tpu.memory_space<vmem>>
        %dma_wait3A_264 = arith.constant 0 : i32
        %dma_wait3A_265 = tpu.memref_slice %arg9[%add3A_229, %dma_wait3A_264] : memref<40x128xi32, #tpu.memory_space<vmem>> -> memref<1x128xi32, #tpu.memory_space<vmem>>
        %dma_wait3A_266 = tpu.memref_squeeze %dma_wait3A_265 : memref<1x128xi32, #tpu.memory_space<vmem>> -> memref<128xi32, #tpu.memory_space<vmem>>
        %dma_wait3A_267 = arith.constant 0 : i32
        %dma_wait3A_268 = arith.constant 0 : i32
        %dma_wait3A_269 = tpu.memref_slice %arg11[%dma_wait3A_267, %dma_wait3A_268] : memref<10240x128xf32, #tpu.memory_space<vmem_shared>> -> memref<10240x128xf32, #tpu.memory_space<vmem_shared>>
        tpu.wait_indirect_dma semaphore(%run_scoped3A_249 : memref<!tpu.dma_semaphore, #tpu.memory_space<semaphore_mem>>) src(%dma_wait3A_263 : memref<128x128xf32, #tpu.memory_space<vmem>>) dst(%dma_wait3A_269 : memref<10240x128xf32, #tpu.memory_space<vmem_shared>>)
        tpu.yield
      }) : () -> ()
      %add3A_231 = arith.constant 2 : i32
      %add3A_232 = arith.addi %mul3A_170, %add3A_231 : i32
      %add3A_233 = arith.constant 1 : i32
      %add3A_234 = arith.addi %add3A_232, %add3A_233 : i32
      %dma_start3A_235 = arith.constant 1 : i32
      %dma_start3A_236 = arith.constant 1 : i32
      %dma_start3A_237 = arith.constant 0 : i32
      %dma_start3A_238 = arith.constant 0 : i32
      %dma_start3A_239 = tpu.memref_slice %arg10[%dma_start3A_235, %dma_start3A_237, %dma_start3A_238] : memref<2x128x128xf32, #tpu.memory_space<vmem>> -> memref<1x128x128xf32, #tpu.memory_space<vmem>>
      %dma_start3A_240 = tpu.memref_squeeze %dma_start3A_239 : memref<1x128x128xf32, #tpu.memory_space<vmem>> -> memref<128x128xf32, #tpu.memory_space<vmem>>
      %dma_start3A_241 = arith.constant 0 : i32
      %dma_start3A_242 = tpu.memref_slice %arg8[%add3A_234, %dma_start3A_241] : memref<40x128xi32, #tpu.memory_space<vmem>> -> memref<1x128xi32, #tpu.memory_space<vmem>>
      %dma_start3A_243 = tpu.memref_squeeze %dma_start3A_242 : memref<1x128xi32, #tpu.memory_space<vmem>> -> memref<128xi32, #tpu.memory_space<vmem>>
      %dma_start3A_244 = arith.constant 0 : i32
      %dma_start3A_245 = arith.constant 0 : i32
      %dma_start3A_246 = tpu.memref_slice %arg2[%dma_start3A_244, %dma_start3A_245] : memref<10000x128xf32, #tpu.memory_space<hbm>> -> memref<10000x128xf32, #tpu.memory_space<hbm>>
      %dma_start3A_247 = tpu.memref_slice %arg12[%dma_start3A_236] : memref<2x!tpu.dma_semaphore, #tpu.memory_space<semaphore_mem>> -> memref<1x!tpu.dma_semaphore, #tpu.memory_space<semaphore_mem>>
      %dma_start3A_248 = tpu.memref_squeeze %dma_start3A_247 : memref<1x!tpu.dma_semaphore, #tpu.memory_space<semaphore_mem>> -> memref<!tpu.dma_semaphore, #tpu.memory_space<semaphore_mem>>
      tpu.enqueue_indirect_dma source(%dma_start3A_246 : memref<10000x128xf32, #tpu.memory_space<hbm>>) target(%dma_start3A_240 : memref<128x128xf32, #tpu.memory_space<vmem>>) offsets(%dma_start3A_243 : memref<128xi32, #tpu.memory_space<vmem>>) semaphore(%dma_start3A_248 : memref<!tpu.dma_semaphore, #tpu.memory_space<semaphore_mem>>)
    }
    %scan3A_119 = arith.constant 19 : i32
    %dma_wait3A_120 = arith.constant 0 : i32
    %dma_wait3A_121 = arith.constant 0 : i32
    %dma_wait3A_122 = arith.constant 0 : i32
    %dma_wait3A_123 = arith.constant 0 : i32
    %dma_wait3A_124 = tpu.memref_slice %arg10[%dma_wait3A_120, %dma_wait3A_122, %dma_wait3A_123] : memref<2x128x128xf32, #tpu.memory_space<vmem>> -> memref<1x128x128xf32, #tpu.memory_space<vmem>>
    %dma_wait3A_125 = tpu.memref_squeeze %dma_wait3A_124 : memref<1x128x128xf32, #tpu.memory_space<vmem>> -> memref<128x128xf32, #tpu.memory_space<vmem>>
    %dma_wait3A_126 = arith.constant 0 : i32
    %dma_wait3A_127 = arith.constant 0 : i32
    %dma_wait3A_128 = tpu.memref_slice %arg5[%dma_wait3A_126, %dma_wait3A_127] : memref<10240x128xf32, #tpu.memory_space<hbm>> -> memref<128x128xf32, #tpu.memory_space<hbm>>
    %dma_wait3A_129 = tpu.memref_slice %arg12[%dma_wait3A_121] : memref<2x!tpu.dma_semaphore, #tpu.memory_space<semaphore_mem>> -> memref<1x!tpu.dma_semaphore, #tpu.memory_space<semaphore_mem>>
    %dma_wait3A_130 = tpu.memref_squeeze %dma_wait3A_129 : memref<1x!tpu.dma_semaphore, #tpu.memory_space<semaphore_mem>> -> memref<!tpu.dma_semaphore, #tpu.memory_space<semaphore_mem>>
    %dma_wait3A_131 = arith.constant 0 : i32
    %dma_wait3A_132 = arith.constant 0 : i32
    %dma_wait3A_133 = tpu.memref_slice %arg10[%dma_wait3A_120, %dma_wait3A_131, %dma_wait3A_132] : memref<2x128x128xf32, #tpu.memory_space<vmem>> -> memref<1x128x128xf32, #tpu.memory_space<vmem>>
    %dma_wait3A_134 = tpu.memref_squeeze %dma_wait3A_133 : memref<1x128x128xf32, #tpu.memory_space<vmem>> -> memref<128x128xf32, #tpu.memory_space<vmem>>
    %dma_wait3A_135 = arith.constant 0 : i32
    %dma_wait3A_136 = arith.constant 0 : i32
    %dma_wait3A_137 = tpu.memref_slice %arg5[%dma_wait3A_135, %dma_wait3A_136] : memref<10240x128xf32, #tpu.memory_space<hbm>> -> memref<128x128xf32, #tpu.memory_space<hbm>>
    tpu.wait_dma2 semaphore(%dma_wait3A_130 : memref<!tpu.dma_semaphore, #tpu.memory_space<semaphore_mem>>) src(%dma_wait3A_137 : memref<128x128xf32, #tpu.memory_space<hbm>>) dst(%dma_wait3A_134 : memref<128x128xf32, #tpu.memory_space<vmem>>)
    %run_scoped3A_138 = arith.constant 0 : i32
    %run_scoped3A_139 = arith.constant 38 : i32
    "tpu.region"() ({
      %run_scoped3A_168 = tpu.sem_alloc : memref<!tpu.dma_semaphore, #tpu.memory_space<semaphore_mem>>
      %dma_start3A_169 = arith.constant 0 : i32
      %dma_start3A_170 = arith.constant 0 : i32
      %dma_start3A_171 = tpu.memref_slice %arg10[%run_scoped3A_138, %dma_start3A_169, %dma_start3A_170] : memref<2x128x128xf32, #tpu.memory_space<vmem>> -> memref<1x128x128xf32, #tpu.memory_space<vmem>>
      %dma_start3A_172 = tpu.memref_squeeze %dma_start3A_171 : memref<1x128x128xf32, #tpu.memory_space<vmem>> -> memref<128x128xf32, #tpu.memory_space<vmem>>
      %dma_start3A_173 = arith.constant 0 : i32
      %dma_start3A_174 = tpu.memref_slice %arg9[%run_scoped3A_139, %dma_start3A_173] : memref<40x128xi32, #tpu.memory_space<vmem>> -> memref<1x128xi32, #tpu.memory_space<vmem>>
      %dma_start3A_175 = tpu.memref_squeeze %dma_start3A_174 : memref<1x128xi32, #tpu.memory_space<vmem>> -> memref<128xi32, #tpu.memory_space<vmem>>
      %dma_start3A_176 = arith.constant 0 : i32
      %dma_start3A_177 = arith.constant 0 : i32
      %dma_start3A_178 = tpu.memref_slice %arg11[%dma_start3A_176, %dma_start3A_177] : memref<10240x128xf32, #tpu.memory_space<vmem_shared>> -> memref<10240x128xf32, #tpu.memory_space<vmem_shared>>
      tpu.enqueue_indirect_dma source(%dma_start3A_172 : memref<128x128xf32, #tpu.memory_space<vmem>>) target(%dma_start3A_178 : memref<10240x128xf32, #tpu.memory_space<vmem_shared>>) offsets(%dma_start3A_175 : memref<128xi32, #tpu.memory_space<vmem>>) semaphore(%run_scoped3A_168 : memref<!tpu.dma_semaphore, #tpu.memory_space<semaphore_mem>>) {add = true}
      %dma_wait3A_179 = arith.constant 0 : i32
      %dma_wait3A_180 = arith.constant 0 : i32
      %dma_wait3A_181 = tpu.memref_slice %arg10[%run_scoped3A_138, %dma_wait3A_179, %dma_wait3A_180] : memref<2x128x128xf32, #tpu.memory_space<vmem>> -> memref<1x128x128xf32, #tpu.memory_space<vmem>>
      %dma_wait3A_182 = tpu.memref_squeeze %dma_wait3A_181 : memref<1x128x128xf32, #tpu.memory_space<vmem>> -> memref<128x128xf32, #tpu.memory_space<vmem>>
      %dma_wait3A_183 = arith.constant 0 : i32
      %dma_wait3A_184 = tpu.memref_slice %arg9[%run_scoped3A_139, %dma_wait3A_183] : memref<40x128xi32, #tpu.memory_space<vmem>> -> memref<1x128xi32, #tpu.memory_space<vmem>>
      %dma_wait3A_185 = tpu.memref_squeeze %dma_wait3A_184 : memref<1x128xi32, #tpu.memory_space<vmem>> -> memref<128xi32, #tpu.memory_space<vmem>>
      %dma_wait3A_186 = arith.constant 0 : i32
      %dma_wait3A_187 = arith.constant 0 : i32
      %dma_wait3A_188 = tpu.memref_slice %arg11[%dma_wait3A_186, %dma_wait3A_187] : memref<10240x128xf32, #tpu.memory_space<vmem_shared>> -> memref<10240x128xf32, #tpu.memory_space<vmem_shared>>
      tpu.wait_indirect_dma semaphore(%run_scoped3A_168 : memref<!tpu.dma_semaphore, #tpu.memory_space<semaphore_mem>>) src(%dma_wait3A_182 : memref<128x128xf32, #tpu.memory_space<vmem>>) dst(%dma_wait3A_188 : memref<10240x128xf32, #tpu.memory_space<vmem_shared>>)
      tpu.yield
    }) : () -> ()
    %dma_wait3A_140 = arith.constant 1 : i32
    %dma_wait3A_141 = arith.constant 1 : i32
    %dma_wait3A_142 = arith.constant 0 : i32
    %dma_wait3A_143 = arith.constant 0 : i32
    %dma_wait3A_144 = tpu.memref_slice %arg10[%dma_wait3A_140, %dma_wait3A_142, %dma_wait3A_143] : memref<2x128x128xf32, #tpu.memory_space<vmem>> -> memref<1x128x128xf32, #tpu.memory_space<vmem>>
    %dma_wait3A_145 = tpu.memref_squeeze %dma_wait3A_144 : memref<1x128x128xf32, #tpu.memory_space<vmem>> -> memref<128x128xf32, #tpu.memory_space<vmem>>
    %dma_wait3A_146 = arith.constant 0 : i32
    %dma_wait3A_147 = arith.constant 0 : i32
    %dma_wait3A_148 = tpu.memref_slice %arg5[%dma_wait3A_146, %dma_wait3A_147] : memref<10240x128xf32, #tpu.memory_space<hbm>> -> memref<128x128xf32, #tpu.memory_space<hbm>>
    %dma_wait3A_149 = tpu.memref_slice %arg12[%dma_wait3A_141] : memref<2x!tpu.dma_semaphore, #tpu.memory_space<semaphore_mem>> -> memref<1x!tpu.dma_semaphore, #tpu.memory_space<semaphore_mem>>
    %dma_wait3A_150 = tpu.memref_squeeze %dma_wait3A_149 : memref<1x!tpu.dma_semaphore, #tpu.memory_space<semaphore_mem>> -> memref<!tpu.dma_semaphore, #tpu.memory_space<semaphore_mem>>
    %dma_wait3A_151 = arith.constant 0 : i32
    %dma_wait3A_152 = arith.constant 0 : i32
    %dma_wait3A_153 = tpu.memref_slice %arg10[%dma_wait3A_140, %dma_wait3A_151, %dma_wait3A_152] : memref<2x128x128xf32, #tpu.memory_space<vmem>> -> memref<1x128x128xf32, #tpu.memory_space<vmem>>
    %dma_wait3A_154 = tpu.memref_squeeze %dma_wait3A_153 : memref<1x128x128xf32, #tpu.memory_space<vmem>> -> memref<128x128xf32, #tpu.memory_space<vmem>>
    %dma_wait3A_155 = arith.constant 0 : i32
    %dma_wait3A_156 = arith.constant 0 : i32
    %dma_wait3A_157 = tpu.memref_slice %arg5[%dma_wait3A_155, %dma_wait3A_156] : memref<10240x128xf32, #tpu.memory_space<hbm>> -> memref<128x128xf32, #tpu.memory_space<hbm>>
    tpu.wait_dma2 semaphore(%dma_wait3A_150 : memref<!tpu.dma_semaphore, #tpu.memory_space<semaphore_mem>>) src(%dma_wait3A_157 : memref<128x128xf32, #tpu.memory_space<hbm>>) dst(%dma_wait3A_154 : memref<128x128xf32, #tpu.memory_space<vmem>>)
    %run_scoped3A_158 = arith.constant 1 : i32
    %run_scoped3A_159 = arith.constant 39 : i32
    "tpu.region"() ({
      %run_scoped3A_168 = tpu.sem_alloc : memref<!tpu.dma_semaphore, #tpu.memory_space<semaphore_mem>>
      %dma_start3A_169 = arith.constant 0 : i32
      %dma_start3A_170 = arith.constant 0 : i32
      %dma_start3A_171 = tpu.memref_slice %arg10[%run_scoped3A_158, %dma_start3A_169, %dma_start3A_170] : memref<2x128x128xf32, #tpu.memory_space<vmem>> -> memref<1x128x128xf32, #tpu.memory_space<vmem>>
      %dma_start3A_172 = tpu.memref_squeeze %dma_start3A_171 : memref<1x128x128xf32, #tpu.memory_space<vmem>> -> memref<128x128xf32, #tpu.memory_space<vmem>>
      %dma_start3A_173 = arith.constant 0 : i32
      %dma_start3A_174 = tpu.memref_slice %arg9[%run_scoped3A_159, %dma_start3A_173] : memref<40x128xi32, #tpu.memory_space<vmem>> -> memref<1x128xi32, #tpu.memory_space<vmem>>
      %dma_start3A_175 = tpu.memref_squeeze %dma_start3A_174 : memref<1x128xi32, #tpu.memory_space<vmem>> -> memref<128xi32, #tpu.memory_space<vmem>>
      %dma_start3A_176 = arith.constant 0 : i32
      %dma_start3A_177 = arith.constant 0 : i32
      %dma_start3A_178 = tpu.memref_slice %arg11[%dma_start3A_176, %dma_start3A_177] : memref<10240x128xf32, #tpu.memory_space<vmem_shared>> -> memref<10240x128xf32, #tpu.memory_space<vmem_shared>>
      tpu.enqueue_indirect_dma source(%dma_start3A_172 : memref<128x128xf32, #tpu.memory_space<vmem>>) target(%dma_start3A_178 : memref<10240x128xf32, #tpu.memory_space<vmem_shared>>) offsets(%dma_start3A_175 : memref<128xi32, #tpu.memory_space<vmem>>) semaphore(%run_scoped3A_168 : memref<!tpu.dma_semaphore, #tpu.memory_space<semaphore_mem>>) {add = true}
      %dma_wait3A_179 = arith.constant 0 : i32
      %dma_wait3A_180 = arith.constant 0 : i32
      %dma_wait3A_181 = tpu.memref_slice %arg10[%run_scoped3A_158, %dma_wait3A_179, %dma_wait3A_180] : memref<2x128x128xf32, #tpu.memory_space<vmem>> -> memref<1x128x128xf32, #tpu.memory_space<vmem>>
      %dma_wait3A_182 = tpu.memref_squeeze %dma_wait3A_181 : memref<1x128x128xf32, #tpu.memory_space<vmem>> -> memref<128x128xf32, #tpu.memory_space<vmem>>
      %dma_wait3A_183 = arith.constant 0 : i32
      %dma_wait3A_184 = tpu.memref_slice %arg9[%run_scoped3A_159, %dma_wait3A_183] : memref<40x128xi32, #tpu.memory_space<vmem>> -> memref<1x128xi32, #tpu.memory_space<vmem>>
      %dma_wait3A_185 = tpu.memref_squeeze %dma_wait3A_184 : memref<1x128xi32, #tpu.memory_space<vmem>> -> memref<128xi32, #tpu.memory_space<vmem>>
      %dma_wait3A_186 = arith.constant 0 : i32
      %dma_wait3A_187 = arith.constant 0 : i32
      %dma_wait3A_188 = tpu.memref_slice %arg11[%dma_wait3A_186, %dma_wait3A_187] : memref<10240x128xf32, #tpu.memory_space<vmem_shared>> -> memref<10240x128xf32, #tpu.memory_space<vmem_shared>>
      tpu.wait_indirect_dma semaphore(%run_scoped3A_168 : memref<!tpu.dma_semaphore, #tpu.memory_space<semaphore_mem>>) src(%dma_wait3A_182 : memref<128x128xf32, #tpu.memory_space<vmem>>) dst(%dma_wait3A_188 : memref<10240x128xf32, #tpu.memory_space<vmem_shared>>)
      tpu.yield
    }) : () -> ()
    %barrier3A_160 = arith.constant 0 : index
    tpu.barrier barrier_id(%barrier3A_160)
    %eq3A = arith.constant 0 : i32
    %eq3A_161 = arith.cmpi eq, %arg0, %eq3A : i32
    %convert_element_type3A = arith.extui %eq3A_161 : i1 to i32
    %cond3A = arith.constant 0 : i32
    %cond3A_162 = arith.cmpi ne, %convert_element_type3A, %cond3A : i32
    scf.if %cond3A_162 {
      "tpu.region"() ({
        %run_scoped3A_168 = tpu.sem_alloc : memref<!tpu.dma_semaphore, #tpu.memory_space<semaphore_mem>>
        %dma_start3A_169 = arith.constant 0 : i32
        %dma_start3A_170 = tpu.memref_slice %arg6[%mul3A_2, %dma_start3A_169] : memref<10240x128xf32, #tpu.memory_space<hbm>> -> memref<640x128xf32, #tpu.memory_space<hbm>>
        %dma_start3A_171 = arith.constant 0 : i32
        %dma_start3A_172 = tpu.memref_slice %arg11[%mul3A_2, %dma_start3A_171] : memref<10240x128xf32, #tpu.memory_space<vmem_shared>> -> memref<640x128xf32, #tpu.memory_space<vmem_shared>>
        tpu.enqueue_dma source(%dma_start3A_172 : memref<640x128xf32, #tpu.memory_space<vmem_shared>>) target(%dma_start3A_170 : memref<640x128xf32, #tpu.memory_space<hbm>>) target_semaphore(%run_scoped3A_168 : memref<!tpu.dma_semaphore, #tpu.memory_space<semaphore_mem>>)
        %dma_wait3A_173 = arith.constant 0 : i32
        %dma_wait3A_174 = tpu.memref_slice %arg6[%mul3A_2, %dma_wait3A_173] : memref<10240x128xf32, #tpu.memory_space<hbm>> -> memref<640x128xf32, #tpu.memory_space<hbm>>
        %dma_wait3A_175 = arith.constant 0 : i32
        %dma_wait3A_176 = tpu.memref_slice %arg11[%mul3A_2, %dma_wait3A_175] : memref<10240x128xf32, #tpu.memory_space<vmem_shared>> -> memref<640x128xf32, #tpu.memory_space<vmem_shared>>
        tpu.wait_dma2 semaphore(%run_scoped3A_168 : memref<!tpu.dma_semaphore, #tpu.memory_space<semaphore_mem>>) src(%dma_wait3A_176 : memref<640x128xf32, #tpu.memory_space<vmem_shared>>) dst(%dma_wait3A_174 : memref<640x128xf32, #tpu.memory_space<hbm>>)
        tpu.yield
      }) : () -> ()
    } else {
    }
    %eq3A_163 = arith.constant 1 : i32
    %eq3A_164 = arith.cmpi eq, %arg0, %eq3A_163 : i32
    %convert_element_type3A_165 = arith.extui %eq3A_164 : i1 to i32
    %cond3A_166 = arith.constant 0 : i32
    %cond3A_167 = arith.cmpi ne, %convert_element_type3A_165, %cond3A_166 : i32
    scf.if %cond3A_167 {
      "tpu.region"() ({
        %run_scoped3A_168 = tpu.sem_alloc : memref<!tpu.dma_semaphore, #tpu.memory_space<semaphore_mem>>
        %dma_start3A_169 = arith.constant 0 : i32
        %dma_start3A_170 = tpu.memref_slice %arg7[%mul3A_2, %dma_start3A_169] : memref<10240x128xf32, #tpu.memory_space<hbm>> -> memref<640x128xf32, #tpu.memory_space<hbm>>
        %dma_start3A_171 = arith.constant 0 : i32
        %dma_start3A_172 = tpu.memref_slice %arg11[%mul3A_2, %dma_start3A_171] : memref<10240x128xf32, #tpu.memory_space<vmem_shared>> -> memref<640x128xf32, #tpu.memory_space<vmem_shared>>
        tpu.enqueue_dma source(%dma_start3A_172 : memref<640x128xf32, #tpu.memory_space<vmem_shared>>) target(%dma_start3A_170 : memref<640x128xf32, #tpu.memory_space<hbm>>) target_semaphore(%run_scoped3A_168 : memref<!tpu.dma_semaphore, #tpu.memory_space<semaphore_mem>>)
        %dma_wait3A_173 = arith.constant 0 : i32
        %dma_wait3A_174 = tpu.memref_slice %arg7[%mul3A_2, %dma_wait3A_173] : memref<10240x128xf32, #tpu.memory_space<hbm>> -> memref<640x128xf32, #tpu.memory_space<hbm>>
        %dma_wait3A_175 = arith.constant 0 : i32
        %dma_wait3A_176 = tpu.memref_slice %arg11[%mul3A_2, %dma_wait3A_175] : memref<10240x128xf32, #tpu.memory_space<vmem_shared>> -> memref<640x128xf32, #tpu.memory_space<vmem_shared>>
        tpu.wait_dma2 semaphore(%run_scoped3A_168 : memref<!tpu.dma_semaphore, #tpu.memory_space<semaphore_mem>>) src(%dma_wait3A_176 : memref<640x128xf32, #tpu.memory_space<vmem_shared>>) dst(%dma_wait3A_174 : memref<640x128xf32, #tpu.memory_space<hbm>>)
        tpu.yield
      }) : () -> ()
    } else {
    }
    return
  }
}

module attributes {stable_mosaic.version = 14 : i64} {
  func.func @body(%arg0: i32, %arg1: memref<1000x128xf32, #tpu.memory_space<vmem>>, %arg2: memref<128x128xf32, #tpu.memory_space<vmem>>, %arg3: memref<1x128xf32, #tpu.memory_space<vmem>>, %arg4: memref<1000x128xf32, #tpu.memory_space<vmem>>) attributes {dimension_semantics = [#tpu.dimension_semantics<arbitrary>], iteration_bounds = array<i64: 10>, scalar_prefetch = 0 : i64, scratch_operands = 0 : i64, tpu.core_type = #tpu.core_type<tc>, window_params = [{transform_indices = @transform_0, window_bounds = array<i64: 1000, 128>}, {pipeline_mode = #tpu.pipeline_mode<synchronous>, transform_indices = @transform_1, window_bounds = array<i64: 128, 128>}, {pipeline_mode = #tpu.pipeline_mode<synchronous>, transform_indices = @transform_2, window_bounds = array<i64: 1, 128>}, {transform_indices = @transform_3, window_bounds = array<i64: 1000, 128>}]} {
    %get3A = arith.constant 0 : index
    %get3A_0 = arith.constant 0 : index
    %get3A_1 = vector.load %arg1[%get3A, %get3A_0] : memref<1000x128xf32, #tpu.memory_space<vmem>>, vector<1000x128xf32>
    %get3A_2 = arith.constant 0 : index
    %get3A_3 = arith.constant 0 : index
    %get3A_4 = vector.load %arg2[%get3A_2, %get3A_3] : memref<128x128xf32, #tpu.memory_space<vmem>>, vector<128x128xf32>
    %dot_general3A = arith.constant dense<0.000000e+00> : vector<1000x128xf32>
    %dot_general3A_5 = tpu.matmul %get3A_1, %get3A_4, %dot_general3A {dimension_numbers = #tpu.dot_dimension_numbers<[1], [0], [0], [1], [0, 0, 1, 1], [], []>, transpose_lhs_hint = false} : vector<1000x128xf32>, vector<128x128xf32>, vector<1000x128xf32> -> vector<1000x128xf32>
    %get3A_6 = arith.constant 0 : index
    %get3A_7 = arith.constant 0 : index
    %get3A_8 = vector.load %arg3[%get3A_6, %get3A_7] : memref<1x128xf32, #tpu.memory_space<vmem>>, vector<1x128xf32>
    %add3A = vector.broadcast %get3A_8 : vector<1x128xf32> to vector<1000x128xf32>
    %add3A_9 = arith.addf %dot_general3A_5, %add3A : vector<1000x128xf32>
    %swap3A = arith.constant 0 : index
    %swap3A_10 = arith.constant 0 : index
    %swap3A_11 = vector.load %arg4[%swap3A, %swap3A_10] : memref<1000x128xf32, #tpu.memory_space<vmem>>, vector<1000x128xf32>
    tpu.vector_store %arg4[%swap3A, %swap3A_10], %add3A_9 {strides = array<i32>} : memref<1000x128xf32, #tpu.memory_space<vmem>>, vector<1000x128xf32>,
    return
  }
  func.func @transform_0(%arg0: i32) -> (i32, i32) {
    %c0_i32 = arith.constant 0 : i32
    %c0_i32_0 = arith.constant 0 : i32
    return %arg0, %c0_i32 : i32, i32
  }
  func.func @transform_1(%arg0: i32) -> (i32, i32) {
    %c0_i32 = arith.constant 0 : i32
    %c0_i32_0 = arith.constant 0 : i32
    %c0_i32_1 = arith.constant 0 : i32
    return %c0_i32, %c0_i32_0 : i32, i32
  }
  func.func @transform_2(%arg0: i32) -> (i32, i32) {
    %c0_i32 = arith.constant 0 : i32
    %c0_i32_0 = arith.constant 0 : i32
    %c0_i32_1 = arith.constant 0 : i32
    return %c0_i32, %c0_i32_0 : i32, i32
  }
  func.func @transform_3(%arg0: i32) -> (i32, i32) {
    %c0_i32 = arith.constant 0 : i32
    %c0_i32_0 = arith.constant 0 : i32
    return %arg0, %c0_i32 : i32, i32
  }
}

module attributes {stable_mosaic.version = 14 : i64} {
  func.func @body(%arg0: i32, %arg1: memref<1000x128xf32, #tpu.memory_space<vmem>>, %arg2: memref<1000x128xf32, #tpu.memory_space<vmem>>, %arg3: memref<128x128xf32, #tpu.memory_space<vmem>>, %arg4: memref<1x128xf32, #tpu.memory_space<vmem>>, %arg5: memref<1000x128xf32, #tpu.memory_space<vmem>>) attributes {dimension_semantics = [#tpu.dimension_semantics<arbitrary>], iteration_bounds = array<i64: 10>, scalar_prefetch = 0 : i64, scratch_operands = 0 : i64, tpu.core_type = #tpu.core_type<tc>, window_params = [{transform_indices = @transform_0, window_bounds = array<i64: 1000, 128>}, {transform_indices = @transform_1, window_bounds = array<i64: 1000, 128>}, {pipeline_mode = #tpu.pipeline_mode<synchronous>, transform_indices = @transform_2, window_bounds = array<i64: 128, 128>}, {pipeline_mode = #tpu.pipeline_mode<synchronous>, transform_indices = @transform_3, window_bounds = array<i64: 1, 128>}, {transform_indices = @transform_4, window_bounds = array<i64: 1000, 128>}]} {
    %get3A = arith.constant 0 : index
    %get3A_0 = arith.constant 0 : index
    %get3A_1 = vector.load %arg1[%get3A, %get3A_0] : memref<1000x128xf32, #tpu.memory_space<vmem>>, vector<1000x128xf32>
    %get3A_2 = arith.constant 0 : index
    %get3A_3 = arith.constant 0 : index
    %get3A_4 = vector.load %arg2[%get3A_2, %get3A_3] : memref<1000x128xf32, #tpu.memory_space<vmem>>, vector<1000x128xf32>
    %add3A = arith.addf %get3A_1, %get3A_4 : vector<1000x128xf32>
    %max3A = arith.constant 0.000000e+00 : f32
    %max3A_5 = vector.broadcast %max3A : f32 to vector<1000x128xf32>
    %max3A_6 = arith.maximumf %add3A, %max3A_5 : vector<1000x128xf32>
    %get3A_7 = arith.constant 0 : index
    %get3A_8 = arith.constant 0 : index
    %get3A_9 = vector.load %arg3[%get3A_7, %get3A_8] : memref<128x128xf32, #tpu.memory_space<vmem>>, vector<128x128xf32>
    %dot_general3A = arith.constant dense<0.000000e+00> : vector<1000x128xf32>
    %dot_general3A_10 = tpu.matmul %max3A_6, %get3A_9, %dot_general3A {dimension_numbers = #tpu.dot_dimension_numbers<[1], [0], [0], [1], [0, 0, 1, 1], [], []>, transpose_lhs_hint = false} : vector<1000x128xf32>, vector<128x128xf32>, vector<1000x128xf32> -> vector<1000x128xf32>
    %get3A_11 = arith.constant 0 : index
    %get3A_12 = arith.constant 0 : index
    %get3A_13 = vector.load %arg4[%get3A_11, %get3A_12] : memref<1x128xf32, #tpu.memory_space<vmem>>, vector<1x128xf32>
    %add3A_14 = vector.broadcast %get3A_13 : vector<1x128xf32> to vector<1000x128xf32>
    %add3A_15 = arith.addf %dot_general3A_10, %add3A_14 : vector<1000x128xf32>
    %swap3A = arith.constant 0 : index
    %swap3A_16 = arith.constant 0 : index
    %swap3A_17 = vector.load %arg5[%swap3A, %swap3A_16] : memref<1000x128xf32, #tpu.memory_space<vmem>>, vector<1000x128xf32>
    tpu.vector_store %arg5[%swap3A, %swap3A_16], %add3A_15 {strides = array<i32>} : memref<1000x128xf32, #tpu.memory_space<vmem>>, vector<1000x128xf32>,
    return
  }
  func.func @transform_0(%arg0: i32) -> (i32, i32) {
    %c0_i32 = arith.constant 0 : i32
    %c0_i32_0 = arith.constant 0 : i32
    return %arg0, %c0_i32 : i32, i32
  }
  func.func @transform_1(%arg0: i32) -> (i32, i32) {
    %c0_i32 = arith.constant 0 : i32
    %c0_i32_0 = arith.constant 0 : i32
    return %arg0, %c0_i32 : i32, i32
  }
  func.func @transform_2(%arg0: i32) -> (i32, i32) {
    %c0_i32 = arith.constant 0 : i32
    %c0_i32_0 = arith.constant 0 : i32
    %c0_i32_1 = arith.constant 0 : i32
    return %c0_i32, %c0_i32_0 : i32, i32
  }
  func.func @transform_3(%arg0: i32) -> (i32, i32) {
    %c0_i32 = arith.constant 0 : i32
    %c0_i32_0 = arith.constant 0 : i32
    %c0_i32_1 = arith.constant 0 : i32
    return %c0_i32, %c0_i32_0 : i32, i32
  }
  func.func @transform_4(%arg0: i32) -> (i32, i32) {
    %c0_i32 = arith.constant 0 : i32
    %c0_i32_0 = arith.constant 0 : i32
    return %arg0, %c0_i32 : i32, i32
  }
}

module attributes {stable_mosaic.version = 14 : i64} {
  func.func @body(%arg0: i32, %arg1: memref<1000x128xf32, #tpu.memory_space<vmem>>, %arg2: memref<1000x128xf32, #tpu.memory_space<vmem>>, %arg3: memref<1000x128xf32, #tpu.memory_space<vmem>>) attributes {dimension_semantics = [#tpu.dimension_semantics<arbitrary>], iteration_bounds = array<i64: 10>, scalar_prefetch = 0 : i64, scratch_operands = 0 : i64, tpu.core_type = #tpu.core_type<tc>, window_params = [{transform_indices = @transform_0, window_bounds = array<i64: 1000, 128>}, {transform_indices = @transform_1, window_bounds = array<i64: 1000, 128>}, {transform_indices = @transform_2, window_bounds = array<i64: 1000, 128>}]} {
    %get3A = arith.constant 0 : index
    %get3A_0 = arith.constant 0 : index
    %get3A_1 = vector.load %arg1[%get3A, %get3A_0] : memref<1000x128xf32, #tpu.memory_space<vmem>>, vector<1000x128xf32>
    %get3A_2 = arith.constant 0 : index
    %get3A_3 = arith.constant 0 : index
    %get3A_4 = vector.load %arg2[%get3A_2, %get3A_3] : memref<1000x128xf32, #tpu.memory_space<vmem>>, vector<1000x128xf32>
    %add3A = arith.addf %get3A_1, %get3A_4 : vector<1000x128xf32>
    %swap3A = arith.constant 0 : index
    %swap3A_5 = arith.constant 0 : index
    %swap3A_6 = vector.load %arg3[%swap3A, %swap3A_5] : memref<1000x128xf32, #tpu.memory_space<vmem>>, vector<1000x128xf32>
    tpu.vector_store %arg3[%swap3A, %swap3A_5], %add3A {strides = array<i32>} : memref<1000x128xf32, #tpu.memory_space<vmem>>, vector<1000x128xf32>,
    return
  }
  func.func @transform_0(%arg0: i32) -> (i32, i32) {
    %c0_i32 = arith.constant 0 : i32
    %c0_i32_0 = arith.constant 0 : i32
    return %arg0, %c0_i32 : i32, i32
  }
  func.func @transform_1(%arg0: i32) -> (i32, i32) {
    %c0_i32 = arith.constant 0 : i32
    %c0_i32_0 = arith.constant 0 : i32
    return %arg0, %c0_i32 : i32, i32
  }
  func.func @transform_2(%arg0: i32) -> (i32, i32) {
    %c0_i32 = arith.constant 0 : i32
    %c0_i32_0 = arith.constant 0 : i32
    return %arg0, %c0_i32 : i32, i32
  }
}

</mosaic_0001>

<sc_bundles>
// kernel: kernel.10.cloned.1.call-start
scs
__scs_entry_jumppad:
0x0: {  	(pc) =	sbr.rel $0x88, $3  }
0x1: {  	(tag) =	ssettag $0x0;
	lr =	simm.s32 $0x1  }
0x2: {  	[smem:$0x3F9B] =	sst lr;
	_ =	strace $0xD0000000  }
0x3: {  	_ = 	snop  }
0x4: {  	_ = 	snop  }
0x5: {  	_ = 	snop  }
0x6: {  	_ = 	snop  }
0x7: {  	_ = 	snop  }
__scs_overlays_trampoline_lowered:
0x8: {  	[smem:$0x3FAA] =	sst s0  }
0x9: {  	[smem:$0x3FAB] =	sst s1  }
0xa: {  	[smem:$0x3FAC] =	sst s2  }
0xb: {  	[smem:$0x3FAD] =	sst s3  }
0xc: {  	[smem:$0x3FAE] =	sst s4  }
0xd: {  	[smem:$0x3FAF] =	sst s5  }
0xe: {  	[smem:$0x3FB0] =	sst s6  }
0xf: {  	[smem:$0x3FB1] =	sst s7  }
0x10: {  	[smem:$0x3FB2] =	sst s8  }
0x11: {  	[smem:$0x3FB3] =	sst s9;
	s0 =	simm.s32 @!p0 $0x0  }
0x12: {  	s1 =	sld [smem:$0x3F99];
	s0 =	simm.s32 @p0 $0x1  }
0x13: {  	[smem:$0x3FB4] =	sst s0;
	s0 =	simm.s32 @!p1 $0x0  }
0x14: {  	s2 =	sld [smem:$0x3F98];
	s0 =	simm.s32 @p1 $0x1  }
0x15: {  	[smem:$0x3FB5] =	sst s0;
	s0 =	simm.s32 @!p2 $0x0  }
0x16: {  	s3 =	sld [smem:$0x3FDB];
	s0 =	simm.s32 @p2 $0x1  }
0x17: {  	s4 =	simm.s32 $0x1BF5;
	[smem:$0x3FB7] =	sst s0  }
0x18: {  	s0 =	sld [smem:$0x3F9A];
	_ =	swait.ge [sflag:s4], $0x0  }
0x19: {  	s7 =	sld [smem:$0x3F9B]  }
0x1a: {  	s8 =	sadd.s32 $0xFFFFE003, lr  }
0x1b: {  	s9 =	sadd.s32 $0xFFFFFEF7, lr;
	s5 =	simm.s32 $0xFFFFFFFF;
	p2 =	slt.u32 s8, $0xFFFFF086  }
0x1c: {  	p1 =	slt.u32 s9, $0xF7A;
	s5 =	simm.s32 @!p2 $0x0  }
0x1d: {  	s5 =	simm.s32 @p1 $0x1;
	p0 =	seq.s32 s7, s2  }
0x1e: {  	s7 =	smul.u32 @!p0 $0xF7A, s2;
	p2 =	seq.s32 @!p0 s5, $0x0  }
0x1f: {  	s9 =	smul.u32 $0xF7A, s1;
	s8 =	simm.s32 @!p0 $0x1BF5;
	p2 =	por !p2, p0  }
0x20: {  	[sflag:s8] =	ssyncset.s32 @!p0 $0xFFFFF086;
	s6 =	sadd.s32 @!p0 s3, s7;
	s7 =	simm.s32 @!p0 $0x108  }
0x21: {  	s3 =	sadd.s32 s3, s9;
	s6 =	sadd.s32 @!p0 $0x88, s6;
	s7 =	simm.s32 @p2 $0x1082  }
0x22: {  	[simem:s7], [sflag:s8] =	dma.local @!p0 [hbm:s6], $0xF7A  }
0x23: {  	s9 =	sor.u32 $0xD0000000, s2;
	s6 =	simm.s32 $0x108;
	_ =	swait.ge @!p0 [sflag:s8], $0x0  }
0x24: {  	s3 =	sadd.s32 $0x88, s3;
	s6 =	simm.s32 @!p1 $0x1082;
	[sflag:s4] =	ssyncset.s32 $0xFFFFF086  }
0x25: {  	[simem:s6], [sflag:s4] =	dma.local [hbm:s3], $0xF7A  }
0x26: {  	[smem:$0x3F9B] =	sst s1;
	(tag) =	ssettag s2;
	_ =	strace s9  }
0x27: {  	s1 =	sld [smem:$0x3FAB]  }
0x28: {  	s2 =	sld [smem:$0x3FAC]  }
0x29: {  	s4 =	sld [smem:$0x3FAE]  }
0x2a: {  	p0 =	seq.s32 s5, $0x0;
	s5 =	sld [smem:$0x3FAF]  }
0x2b: {  	s6 =	sld [smem:$0x3FB0]  }
0x2c: {  	s7 =	sld [smem:$0x3FB1]  }
0x2d: {  	s3 =	simm.s32 $0x108;
	s8 =	sld [smem:$0x3FB2]  }
0x2e: {  	s3 =	simm.s32 @!p0 $0x1082;
	s9 =	sld [smem:$0x3FB3]  }
0x2f: {  	lr =	sadd.s32 s0, s3;
	s0 =	sld [smem:$0x3FAA]  }
0x30: {  	s3 =	sld [smem:$0x3FAD]  }
0x31: {  	[smem:$0x3FB6] =	sst s10  }
0x32: {  	s10 =	sld [smem:$0x3FB4];
	_ =	sdelay $0x3  }
0x33: {  	p0 =	seq.s32 s10, $0x1;
	s10 =	sld [smem:$0x3FB6];
	_ =	sdelay $0x3  }
0x34: {  	[smem:$0x3FB6] =	sst s10  }
0x35: {  	s10 =	sld [smem:$0x3FB5];
	_ =	sdelay $0x3  }
0x36: {  	p1 =	seq.s32 s10, $0x1;
	s10 =	sld [smem:$0x3FB6];
	_ =	sdelay $0x3  }
0x37: {  	[smem:$0x3FB6] =	sst s10  }
0x38: {  	s10 =	sld [smem:$0x3FB7]  }
0x39: {  	_ = 	snop;
	(pc) =	sbr.ind lr, $3  }
0x3a: {  	_ = 	snop  }
0x3b: {  	_ = 	snop  }
0x3c: {  	p2 =	seq.s32 s10, $0x1;
	s10 =	sld [smem:$0x3FB6]  }
0x3d: {  	_ =	shalt  }
0x3e: {  	_ =	shalt  }
0x3f: {  	_ =	shalt  }
0x40: {  	_ =	shalt  }
0x41: {  	_ =	shalt  }
0x42: {  	_ =	shalt  }
0x43: {  	_ =	shalt  }
0x44: {  	_ =	shalt  }
0x45: {  	_ =	shalt  }
0x46: {  	_ =	shalt  }
0x47: {  	_ =	shalt  }
0x48: {  	_ =	shalt  }
0x49: {  	_ =	shalt  }
0x4a: {  	_ =	shalt  }
0x4b: {  	_ =	shalt  }
0x4c: {  	_ =	shalt  }
0x4d: {  	_ =	shalt  }
0x4e: {  	_ =	shalt  }
0x4f: {  	_ =	shalt  }
0x50: {  	_ =	shalt  }
0x51: {  	_ =	shalt  }
0x52: {  	_ =	shalt  }
0x53: {  	_ =	shalt  }
0x54: {  	_ =	shalt  }
0x55: {  	_ =	shalt  }
0x56: {  	_ =	shalt  }
0x57: {  	_ =	shalt  }
0x58: {  	_ =	shalt  }
0x59: {  	_ =	shalt  }
0x5a: {  	_ =	shalt  }
0x5b: {  	_ =	shalt  }
0x5c: {  	_ =	shalt  }
0x5d: {  	_ =	shalt  }
0x5e: {  	_ =	shalt  }
0x5f: {  	_ =	shalt  }
0x60: {  	_ =	shalt  }
0x61: {  	_ =	shalt  }
0x62: {  	_ =	shalt  }
0x63: {  	_ =	shalt  }
0x64: {  	_ =	shalt  }
0x65: {  	_ =	shalt  }
0x66: {  	_ =	shalt  }
0x67: {  	_ =	shalt  }
0x68: {  	_ =	shalt  }
0x69: {  	_ =	shalt  }
0x6a: {  	_ =	shalt  }
0x6b: {  	_ =	shalt  }
0x6c: {  	_ =	shalt  }
0x6d: {  	_ =	shalt  }
0x6e: {  	_ =	shalt  }
0x6f: {  	_ =	shalt  }
0x70: {  	_ =	shalt  }
0x71: {  	_ =	shalt  }
0x72: {  	_ =	shalt  }
0x73: {  	_ =	shalt  }
0x74: {  	_ =	shalt  }
0x75: {  	_ =	shalt  }
0x76: {  	_ =	shalt  }
0x77: {  	_ =	shalt  }
0x78: {  	_ =	shalt  }
0x79: {  	_ =	shalt  }
0x7a: {  	_ =	shalt  }
0x7b: {  	_ =	shalt  }
0x7c: {  	_ =	shalt  }
0x7d: {  	_ =	shalt  }
0x7e: {  	_ =	shalt  }
0x7f: {  	_ =	shalt  }
0x80: {  	_ =	shalt  }
0x81: {  	_ =	shalt  }
0x82: {  	_ =	shalt  }
0x83: {  	_ =	shalt  }
0x84: {  	_ =	shalt  }
0x85: {  	_ =	shalt  }
0x86: {  	_ =	shalt  }
0x87: {  	_ =	shalt  }
.Lfunc_end0:
.L_simem_size_0:
called_computation.1_lowered:
.L_overlay_start_0:
0x88: {  	s2 =	sld [smem:$0x3FD9]  }
0x89: {  	s3 =	sld [smem:$0x3FFE];
	_ =	sdelay $0x1  }
0x8a: {  	s1 =	srdreg.scid  }
0x8b: {  	s0 =	sand.u32 $0x1, s1  }
0x8c: {  	s17 =	sshll.u32 s0, $0xA;
	s2 =	sadd.s32 s3, s2  }
0x8d: {  	s2 =	sadd.s32 s2, s17  }
0x8e: {  	[smem:$0x3FC2] =	sst s2  }
0x8f: {  	_ = 	snop  }
0x90: {  	s2 =	sld [smem:$0x3FD0];
	(tm) =	ssettm $0x1  }
0x91: {  	s18 =	sld [smem:$0x3FFB];
	_ =	sdelay $0x3  }
0x92: {  	_ =	strace s18  }
0x93: {  	s3 =	sld [smem:$0x3FFC];
	_ =	sdelay $0x3  }
0x94: {  	_ =	strace s3  }
0x95: {  	s3 =	sld [smem:$0x3FFD];
	_ =	sdelay $0x3  }
0x96: {  	_ =	strace s3  }
0x97: {  	_ =	strace $0x8FFFFFFF  }
0x98: {  	s19 =	sld [smem:$0x3FDB];
	_ =	sdelay $0x1  }
0x99: {  	s4 =	simm.s32 $_scs_section_size  }
0x9a: {  	s5 =	simm.s32 $_size__tile_overlayer_lowered;
	s6 =	simm.s32 $_tile_overlayer_lowered  }
0x9b: {  	s22 =	simm.s32 $0x1BFF;
	s21 =	sshll.u32 s6, $0x1;
	s3 =	sadd.s32 s4, s19  }
0x9c: {  	s7 =	simm.s32 $0x0;
	s20 =	sshll.u32 s5, $0x1;
	s5 =	sadd.s32 s21, s3  }
0x9d: {  	[timem:s7], [sflag:s22] =	dma.local [hbm:s5], s20  }
0x9e: {  	_ =	swait.ge [sflag:s22], s20  }
0x9f: {  	s4 =	ssub.s32 $0x0, s20;
	[sflag:s22] =	ssyncset.done $0x0  }
0xa0: {  	[sflag:s22] =	ssyncadd.s32 s4;
	_ =	sdelay $0x1  }
0xa1: {  	s23 =	simm.s32 $0x1B8B  }
0xa2: {  	_ =	swait.ge [sflag:s23], $0x1  }
0xa3: {  	[sflag:s23] =	ssyncset.done $0x0  }
0xa4: {  	s25 =	simm.s32 $0x1B8E;
	s24 =	sld [smem:$0x3FFE];
	[sflag:s23] =	ssyncadd.s32 $0xFFFFFFFF  }
0xa5: {  	s26 =	simm.s32 $execute0_lowered;
	[smem:$0x3FD2] =	sst s25  }
0xa6: {  	s5 =	sshll.u32 s26, $0x1;
	_ =	strace $0x80000049;
	[dreg:$0x1] =	wrdreg $0xFFFFFFFF  }
0xa7: {  	s28 =	simm.s32 $_size_execute0_lowered;
	s3 =	sadd.s32 s3, s5;
	[dreg:$0x0] =	wrdreg $0x0  }
0xa8: {  	s5 =	sshll.u32 s28, $0x1;
	[dreg:$0x2] =	wrdreg s3  }
0xa9: {  	[dreg:$0x3] =	wrdreg s5  }
0xaa: {  	[dreg:$0x4] =	wrdreg $0xC0  }
0xab: {  	_ =	task [dreg:s7], $0x5FFFF  }
0xac: {  	[dreg:$0x1] =	wrdreg $0xFFFFFFFF  }
0xad: {  	[dreg:$0x0] =	wrdreg $0x60  }
0xae: {  	[dreg:$0x2] =	wrdreg s2  }
0xaf: {  	[dreg:$0x3] =	wrdreg s24  }
0xb0: {  	[dreg:$0x4] =	wrdreg $0xA8000  }
0xb1: {  	[dreg:$0x5] =	wrdreg $0x9  }
0xb2: {  	_ =	task.clear_ibuf [dreg:s7], $0x6FFFF;
	_ =	strace $0x90000049  }
0xb3: {  	s29 =	simm.s32 $0x9;
	_ =	strace $0x8000004B  }
0xb4: {  	_ =	swait.ge [sflag:s29], $0x1  }
0xb5: {  	[sflag:s29] =	ssyncadd.s32 $0xFFFFFFFF  }
0xb6: {  	_ =	strace $0x9000004B  }
0xb7: {  	_ =	sfence  }
0xb8: {  	s30 =	sld [smem:$0x0];
	_ =	sdelay $0x2  }
0xb9: {  	s31 =	sshll.u32 s1, $0xD;
	s1 =	sshrl.u32 s1, $0x2  }
0xba: {  	s3 =	sand.u32 $0x4000, s31;
	s1 =	sadd.s32 s1, s30  }
0xbb: {  	s0 =	sor.u32 s3, s0;
	s1 =	sshll.u32 s1, $0x11  }
0xbc: {  	s0 =	sor.u32 s1, s0  }
0xbd: {  	s0 =	sadd.s32 $0x8F2B, s0  }
0xbe: {  	[sflag:s0] =	ssyncadd.remote.s32 $0x1  }
0xbf: {  	_ =	sfence.sel $0xFFFF  }
0xc0: {  	[dreg:$0x0] =	wrdreg $0xFFFFFFFF;
	(pc) =	sbr.abs _section_cstart, $3  }
0xc1: {  	[dreg:$0x1] =	wrdreg $0xFFFFFFFF  }
0xc2: {  	_ =	task.clear_ibuf [dreg:s7], $0x2FFFF;
	_ =	strace $0x9FFFFFFF  }
0xc3: {  	(tm) =	ssettm $0x7FFFFFFF  }
tec
execute0_lowered:
.L_overlay_start_1:
0x0: {  	(tag) =	ssettag $0x1  }
0x1: {  	s1 =	rddreg [dreg:$0x0]  }
0x2: {  	s5 =	rddreg [dreg:$0x1]  }
0x3: {  	s2 =	rddreg [dreg:$0x2]  }
0x4: {  	s0 =	rddreg [dreg:$0x3]  }
0x5: {  	s4 =	simm.s32 $0x0;
	s3 =	stileid.u32;
	s6 =	srdreg.scid  }
0x6: {  	s17 =	simm.s32 $0x2800;
	s18 =	simm.s32 $0x6800;
	s19 =	simm.s32 $0x1  }
0x7: {  	s20 =	simm.s32 $0x2;
	s21 =	simm.s32 $0x2700;
	s22 =	simm.s32 $0x2780  }
0x8: {  	s23 =	simm.s32 $0x0;
	[smem:$0x7FF] =	sst s4;
	s9 =	sadd.s32 $0x16000, s5  }
0x9: {  	s10 =	sadd.s32 $0x98000, s5;
	s7 =	smul.u32 $0x2800, s3;
	s11 =	sand.u32 $0x1, s6  }
0xa: {  	s12 =	smul.u32 $0x50000, s3;
	s29 =	sshll.u32 s3, $0x6;
	_ =	strace $0x8000004A  }
0xb: {  	s6 =	ssub.s32 $0x2, s11;
	s8 =	sshll.u32 s11, $0x4;
	p0 =	seq.s32 s11, $0x1  }
0xc: {  	s13 =	sadd.s32 s7, s5;
	s25 =	sshrl.u32 s6, $0x1;
	s26 =	sor.u32 s3, s8  }
0xd: {  	s28 =	sshrl.u32 s12, $0x2;
	s14 =	ssub.s32 s6, s25;
	s8 =	smul.u32 $0x2800, s26  }
0xe: {  	s15 =	sadd.s32 s28, s2;
	s30 =	smul.u32 $0x500, s26;
	s5 =	sadd.s32 $0x20000, s13  }
0xf: {  	s6 =	sor.u32 $0x1C03, s29;
	s11 =	smax.u32 s14, $0x1;
	s16 =	sshrl.u32 s8, $0x3  }
0x10: {  	s14 =	simm.s32 $0x3;
	s31 =	sadd.s32 $0x280, s16;
	s16 =	simm.s32 $0x70000  }
0x11: {  	s7 =	sadd.s32 s9, s30;
	s8 =	sadd.s32 s10, s30;
	s16 =	simm.s32 @!p0 $0x48000  }
0x12: {  	s9 =	sadd.s32 s9, s31;
	s10 =	sadd.s32 s10, s31;
	s12 =	sadd.s32 s16, s13  }
0x13: {  	s13 =	sshrl.u32 s15, $0x3;
	s15 =	simm.s32 $0x1400;
	s16 =	simm.s32 $0x80  }
.LBB2_1:
0x14: {  	[spmem:s13], [sflag:s6] =	dma.local [hbm:s5], $0x2800  }
0x15: {  	_ =	swait.ge [sflag:s14], $0x2800  }
0x16: {  	[sflag:s14] =	ssyncset.done $0x0  }
0x17: {  	[sflag:s14] =	ssyncadd.s32 $0xFFFFD800  }
0x18: {  	[tilespmem:s4], [sflag:$0x3] =	stream.linear.gather [hbm4b:s7+s4], $0x1400, $0x38;
	[tilespmem:$0x1E800] =	vst v63  }
0x19: {  	_ =	swait.ge [sflag:s14], $0x1400  }
0x1a: {  	[sflag:s14] =	ssyncset.done $0x0  }
0x1b: {  	[sflag:s14] =	ssyncadd.s32 $0xFFFFEC00  }
0x1c: {  	[tilespmem:s15], [sflag:$0x3] =	stream.linear.gather [hbm4b:s8+s4], $0x1400, $0x38;
	[tilespmem:$0x1E800] =	vst v63  }
0x1d: {  	_ =	swait.ge [sflag:s14], $0x1400  }
0x1e: {  	[sflag:s14] =	ssyncset.done $0x0  }
0x1f: {  	[sflag:s14] =	ssyncadd.s32 $0xFFFFEC00  }
0x20: {  	[bflag:$0x0] =	sbarrier.arrive $0xFFFF  }
0x21: {  	[tilespmem:s17], [sflag:$0x1] =	stream.indirect.gather [hbm4b:s1+s16], $0x80, s4, s16, $0xb8;
	[tilespmem:$0x1E800] =	vst v63  }
0x22: {  	_ = 	snop  }
0x23: {  	[tilespmem:s18], [sflag:$0x2] =	stream.indirect.gather [hbm4b:s1+s16], $0x80, s16, s16, $0xb8;
	[tilespmem:$0x1E800] =	vst v63  }
0x24: {  	_ =	swait.ge [sflag:s19], $0x4000  }
0x25: {  	[sflag:s19] =	ssyncset.done $0x0  }
0x26: {  	s24 =	simm.s32 $0x1400;
	[sflag:s19] =	ssyncadd.s32 $0xFFFFC000  }
0x27: {  	[spmem:s2] =	stream.indirect.scatter.add.f32 [tilespmem:s17], [sflag:$0x3], $0x80, s24, s16, $0xb8;
	[tilespmem:$0x1E800] =	vst v63  }
0x28: {  	_ =	swait.ge [sflag:s14], $0x4000  }
0x29: {  	[sflag:s14] =	ssyncset.done $0x0  }
0x2a: {  	s30 =	simm.s32 $0x100;
	[sflag:s14] =	ssyncadd.s32 $0xFFFFC000  }
0x2b: {  	[tilespmem:s17], [sflag:$0x1] =	stream.indirect.gather [hbm4b:s1+s16], $0x80, s30, s16, $0xb8;
	[tilespmem:$0x1E800] =	vst v63  }
0x2c: {  	_ =	swait.ge [sflag:s20], $0x4000  }
0x2d: {  	[sflag:s20] =	ssyncset.done $0x0  }
0x2e: {  	s31 =	simm.s32 $0x1480;
	[sflag:s20] =	ssyncadd.s32 $0xFFFFC000  }
0x2f: {  	[spmem:s2] =	stream.indirect.scatter.add.f32 [tilespmem:s18], [sflag:$0x3], $0x80, s31, s16, $0xb8;
	[tilespmem:$0x1E800] =	vst v63  }
0x30: {  	_ =	swait.ge [sflag:s14], $0x4000  }
0x31: {  	[sflag:s14] =	ssyncset.done $0x0  }
0x32: {  	s25 =	simm.s32 $0x180;
	s24 =	simm.s32 $0x400;
	[sflag:s14] =	ssyncadd.s32 $0xFFFFC000  }
.LBB2_2:
0x33: {  	[tilespmem:s18], [sflag:$0x2] =	stream.indirect.gather [hbm4b:s1+s16], $0x80, s25, s16, $0xb8;
	[tilespmem:$0x1E800] =	vst v63  }
0x34: {  	s25 =	smov.u32 s24  }
0x35: {  	p0 =	sne.s32 s24, $0x4800;
	s24 =	sadd.s32 $0x400, s24;
	_ =	swait.ge [sflag:s19], $0x4000  }
0x36: {  	s25 =	sshra.s32 s25, $0x2;
	[sflag:s19] =	ssyncset.done $0x0  }
0x37: {  	s26 =	sadd.s32 $0x1400, s25;
	[sflag:s19] =	ssyncadd.s32 $0xFFFFC000  }
0x38: {  	[spmem:s2] =	stream.indirect.scatter.add.f32 [tilespmem:s17], [sflag:$0x3], $0x80, s26, s16, $0xb8;
	[tilespmem:$0x1E800] =	vst v63  }
0x39: {  	_ =	swait.ge [sflag:s14], $0x4000  }
0x3a: {  	[sflag:s14] =	ssyncset.done $0x0  }
0x3b: {  	s26 =	sadd.s32 $0x100, s25;
	[sflag:s14] =	ssyncadd.s32 $0xFFFFC000  }
0x3c: {  	[tilespmem:s17], [sflag:$0x1] =	stream.indirect.gather [hbm4b:s1+s16], $0x80, s26, s16, $0xb8;
	[tilespmem:$0x1E800] =	vst v63  }
0x3d: {  	_ =	swait.ge [sflag:s20], $0x4000  }
0x3e: {  	[sflag:s20] =	ssyncset.done $0x0  }
.Ltmp0:
0x3f: {  	s26 =	sadd.s32 $0x1480, s25;
	[sflag:s20] =	ssyncadd.s32 $0xFFFFC000;
	(pc) =	sbr.rel @p0 .LBB2_2-.Ltmp0, $4  }
0x40: {  	[spmem:s2] =	stream.indirect.scatter.add.f32 [tilespmem:s18], [sflag:$0x3], $0x80, s26, s16, $0xb8;
	[tilespmem:$0x1E800] =	vst v63  }
0x41: {  	_ =	swait.ge [sflag:s14], $0x4000  }
0x42: {  	[sflag:s14] =	ssyncset.done $0x0  }
0x43: {  	s25 =	sadd.s32 $0x180, s25;
	[sflag:s14] =	ssyncadd.s32 $0xFFFFC000  }
0x44: {  	[tilespmem:s18], [sflag:$0x2] =	stream.indirect.gather [hbm4b:s1+s16], $0x80, s25, s16, $0xb8;
	[tilespmem:$0x1E800] =	vst v63  }
0x45: {  	_ =	swait.ge [sflag:s19], $0x4000  }
0x46: {  	[sflag:s19] =	ssyncset.done $0x0  }
0x47: {  	[sflag:s19] =	ssyncadd.s32 $0xFFFFC000  }
0x48: {  	[spmem:s2] =	stream.indirect.scatter.add.f32 [tilespmem:s17], [sflag:$0x3], $0x80, s21, s16, $0xb8;
	[tilespmem:$0x1E800] =	vst v63  }
0x49: {  	_ =	swait.ge [sflag:s14], $0x4000  }
0x4a: {  	[sflag:s14] =	ssyncset.done $0x0  }
0x4b: {  	[sflag:s14] =	ssyncadd.s32 $0xFFFFC000  }
0x4c: {  	_ =	swait.ge [sflag:s20], $0x4000  }
0x4d: {  	[sflag:s20] =	ssyncset.done $0x0  }
0x4e: {  	[sflag:s20] =	ssyncadd.s32 $0xFFFFC000  }
0x4f: {  	[spmem:s2] =	stream.indirect.scatter.add.f32 [tilespmem:s18], [sflag:$0x3], $0x80, s22, s16, $0xb8;
	[tilespmem:$0x1E800] =	vst v63  }
0x50: {  	_ =	swait.ge [sflag:s14], $0x4000  }
0x51: {  	[sflag:s14] =	ssyncset.done $0x0  }
0x52: {  	s24 =	simm.s32 $0x0;
	[sflag:s14] =	ssyncadd.s32 $0xFFFFC000  }
0x53: {  	[tilespmem:s24], [sflag:$0x3] =	stream.linear.gather [hbm4b:s9+s24], $0x1400, $0x38;
	[tilespmem:$0x1E800] =	vst v63  }
0x54: {  	_ =	swait.ge [sflag:s14], $0x1400  }
0x55: {  	[sflag:s14] =	ssyncset.done $0x0  }
0x56: {  	[sflag:s14] =	ssyncadd.s32 $0xFFFFEC00  }
0x57: {  	[tilespmem:s15], [sflag:$0x3] =	stream.linear.gather [hbm4b:s10+s24], $0x1400, $0x38;
	[tilespmem:$0x1E800] =	vst v63  }
0x58: {  	_ =	swait.ge [sflag:s14], $0x1400  }
0x59: {  	[sflag:s14] =	ssyncset.done $0x0  }
0x5a: {  	[sflag:s14] =	ssyncadd.s32 $0xFFFFEC00  }
0x5b: {  	[tilespmem:s17], [sflag:$0x1] =	stream.indirect.gather [hbm4b:s1+s16], $0x80, s24, s16, $0xb8;
	[tilespmem:$0x1E800] =	vst v63  }
0x5c: {  	_ = 	snop  }
0x5d: {  	[tilespmem:s18], [sflag:$0x2] =	stream.indirect.gather [hbm4b:s1+s16], $0x80, s16, s16, $0xb8;
	[tilespmem:$0x1E800] =	vst v63  }
0x5e: {  	_ =	swait.ge [sflag:s19], $0x4000  }
0x5f: {  	[sflag:s19] =	ssyncset.done $0x0  }
0x60: {  	s29 =	simm.s32 $0x1400;
	[sflag:s19] =	ssyncadd.s32 $0xFFFFC000  }
0x61: {  	[spmem:s2] =	stream.indirect.scatter.add.f32 [tilespmem:s17], [sflag:$0x3], $0x80, s29, s16, $0xb8;
	[tilespmem:$0x1E800] =	vst v63  }
0x62: {  	_ =	swait.ge [sflag:s14], $0x4000  }
0x63: {  	[sflag:s14] =	ssyncset.done $0x0  }
0x64: {  	s30 =	simm.s32 $0x100;
	[sflag:s14] =	ssyncadd.s32 $0xFFFFC000  }
0x65: {  	[tilespmem:s17], [sflag:$0x1] =	stream.indirect.gather [hbm4b:s1+s16], $0x80, s30, s16, $0xb8;
	[tilespmem:$0x1E800] =	vst v63  }
0x66: {  	_ =	swait.ge [sflag:s20], $0x4000  }
0x67: {  	[sflag:s20] =	ssyncset.done $0x0  }
0x68: {  	s31 =	simm.s32 $0x1480;
	[sflag:s20] =	ssyncadd.s32 $0xFFFFC000  }
0x69: {  	[spmem:s2] =	stream.indirect.scatter.add.f32 [tilespmem:s18], [sflag:$0x3], $0x80, s31, s16, $0xb8;
	[tilespmem:$0x1E800] =	vst v63  }
0x6a: {  	_ =	swait.ge [sflag:s14], $0x4000  }
0x6b: {  	[sflag:s14] =	ssyncset.done $0x0  }
0x6c: {  	s25 =	simm.s32 $0x180;
	s24 =	simm.s32 $0x400;
	[sflag:s14] =	ssyncadd.s32 $0xFFFFC000  }
.LBB2_4:
0x6d: {  	[tilespmem:s18], [sflag:$0x2] =	stream.indirect.gather [hbm4b:s1+s16], $0x80, s25, s16, $0xb8;
	[tilespmem:$0x1E800] =	vst v63  }
0x6e: {  	s25 =	smov.u32 s24  }
0x6f: {  	p0 =	sne.s32 s24, $0x4800;
	s24 =	sadd.s32 $0x400, s24;
	_ =	swait.ge [sflag:s19], $0x4000  }
0x70: {  	s25 =	sshra.s32 s25, $0x2;
	[sflag:s19] =	ssyncset.done $0x0  }
0x71: {  	s26 =	sadd.s32 $0x1400, s25;
	[sflag:s19] =	ssyncadd.s32 $0xFFFFC000  }
0x72: {  	[spmem:s2] =	stream.indirect.scatter.add.f32 [tilespmem:s17], [sflag:$0x3], $0x80, s26, s16, $0xb8;
	[tilespmem:$0x1E800] =	vst v63  }
0x73: {  	_ =	swait.ge [sflag:s14], $0x4000  }
0x74: {  	[sflag:s14] =	ssyncset.done $0x0  }
0x75: {  	s26 =	sadd.s32 $0x100, s25;
	[sflag:s14] =	ssyncadd.s32 $0xFFFFC000  }
0x76: {  	[tilespmem:s17], [sflag:$0x1] =	stream.indirect.gather [hbm4b:s1+s16], $0x80, s26, s16, $0xb8;
	[tilespmem:$0x1E800] =	vst v63  }
0x77: {  	_ =	swait.ge [sflag:s20], $0x4000  }
0x78: {  	[sflag:s20] =	ssyncset.done $0x0  }
.Ltmp1:
0x79: {  	s26 =	sadd.s32 $0x1480, s25;
	[sflag:s20] =	ssyncadd.s32 $0xFFFFC000;
	(pc) =	sbr.rel @p0 .LBB2_4-.Ltmp1, $4  }
0x7a: {  	[spmem:s2] =	stream.indirect.scatter.add.f32 [tilespmem:s18], [sflag:$0x3], $0x80, s26, s16, $0xb8;
	[tilespmem:$0x1E800] =	vst v63  }
0x7b: {  	_ =	swait.ge [sflag:s14], $0x4000  }
0x7c: {  	[sflag:s14] =	ssyncset.done $0x0  }
0x7d: {  	s25 =	sadd.s32 $0x180, s25;
	[sflag:s14] =	ssyncadd.s32 $0xFFFFC000  }
0x7e: {  	[tilespmem:s18], [sflag:$0x2] =	stream.indirect.gather [hbm4b:s1+s16], $0x80, s25, s16, $0xb8;
	[tilespmem:$0x1E800] =	vst v63  }
0x7f: {  	_ =	swait.ge [sflag:s19], $0x4000  }
0x80: {  	[sflag:s19] =	ssyncset.done $0x0  }
0x81: {  	[sflag:s19] =	ssyncadd.s32 $0xFFFFC000  }
0x82: {  	[spmem:s2] =	stream.indirect.scatter.add.f32 [tilespmem:s17], [sflag:$0x3], $0x80, s21, s16, $0xb8;
	[tilespmem:$0x1E800] =	vst v63  }
0x83: {  	_ =	swait.ge [sflag:s14], $0x4000  }
0x84: {  	[sflag:s14] =	ssyncset.done $0x0  }
0x85: {  	[sflag:s14] =	ssyncadd.s32 $0xFFFFC000  }
0x86: {  	_ =	swait.ge [sflag:s20], $0x4000  }
0x87: {  	[sflag:s20] =	ssyncset.done $0x0  }
0x88: {  	[sflag:s20] =	ssyncadd.s32 $0xFFFFC000  }
0x89: {  	[spmem:s2] =	stream.indirect.scatter.add.f32 [tilespmem:s18], [sflag:$0x3], $0x80, s22, s16, $0xb8;
	[tilespmem:$0x1E800] =	vst v63  }
0x8a: {  	_ =	swait.ge [sflag:s14], $0x4000  }
0x8b: {  	s23 =	sadd.s32 $0x1, s23;
	[sflag:s14] =	ssyncset.done $0x0  }
0x8c: {  	p0 =	sne.s32 s23, s11;
	[sflag:s14] =	ssyncadd.s32 $0xFFFFC000  }
.Ltmp2:
0x8d: {  	[bflag:$0x0] =	sbarrier.arrive $0xFFFF;
	(pc) =	sbr.rel @p0 .LBB2_1-.Ltmp2, $4  }
0x8e: {  	[hbm:s12], [sflag:s6] =	dma.local [spmem:s13], $0x2800  }
0x8f: {  	_ =	swait.ge [sflag:s14], $0x2800  }
0x90: {  	[sflag:s14] =	ssyncset.done $0x0  }
0x91: {  	[sflag:s14] =	ssyncadd.s32 $0xFFFFD800  }
0x92: {  	_ =	sfence.sel $0x180000  }
0x93: {  	[bflag:$0x0] =	sbarrier.arrive $0xFFFF  }
0x94: {  	p0 =	sne.s32 s3, $0x0;
	_ =	strace $0x9000004A  }
0x95: {  	s0 =	sadd.s32 @!p0 $0x100000, s0;
	[bflag:$0x2] =	sbarrier.arrive $0xFFFF  }
0x96: {  	[sflag:s0] =	ssyncadd.tile.s32 @!p0 $0x1;
	_ =	shalt  }
.Lfunc_end2:
_tile_overlayer_lowered:
.L_overlay_start_2:
0x97: {  	(tag) =	ssettag $0x2  }
0x98: {  	s0 =	rddreg [dreg:$0x0];
	s2 =	stileid.u32  }
0x99: {  	s1 =	rddreg [dreg:$0x1];
	p0 =	sne.s32 s2, $0x0  }
0x9a: {  	s3 =	rddreg [dreg:$0x2];
	[bflag:$0x3] =	sbarrier.arrive $0xFFFF;
	s2 =	simm.s32 @!p0 $0x1C03  }
0x9b: {  	[timem:s3], [sflag:s2] =	dma.local @!p0 [hbm:s0], s1  }
0x9c: {  	s0 =	simm.s32 @!p0 $0x3  }
0x9d: {  	_ =	swait.ge @!p0 [sflag:s0], s1  }
0x9e: {  	s1 =	ssub.s32 @!p0 $0x0, s1;
	[sflag:s0] =	ssyncset.done @!p0 $0x0  }
0x9f: {  	[sflag:s0] =	ssyncadd.s32 @!p0 s1  }
0xa0: {  	[bflag:$0x3] =	sbarrier.arrive $0xFFFF  }
0xa1: {  	_ =	shalt  }

// kernel: kernel.7.cloned.1.call-start
scs
__scs_entry_jumppad:
0x0: {  	(pc) =	sbr.rel $0x88, $3  }
0x1: {  	(tag) =	ssettag $0x0;
	lr =	simm.s32 $0x1  }
0x2: {  	[smem:$0x3F9B] =	sst lr;
	_ =	strace $0xD0000000  }
0x3: {  	_ = 	snop  }
0x4: {  	_ = 	snop  }
0x5: {  	_ = 	snop  }
0x6: {  	_ = 	snop  }
0x7: {  	_ = 	snop  }
__scs_overlays_trampoline_lowered:
0x8: {  	[smem:$0x3FAA] =	sst s0  }
0x9: {  	[smem:$0x3FAB] =	sst s1  }
0xa: {  	[smem:$0x3FAC] =	sst s2  }
0xb: {  	[smem:$0x3FAD] =	sst s3  }
0xc: {  	[smem:$0x3FAE] =	sst s4  }
0xd: {  	[smem:$0x3FAF] =	sst s5  }
0xe: {  	[smem:$0x3FB0] =	sst s6  }
0xf: {  	[smem:$0x3FB1] =	sst s7  }
0x10: {  	[smem:$0x3FB2] =	sst s8  }
0x11: {  	[smem:$0x3FB3] =	sst s9;
	s0 =	simm.s32 @!p0 $0x0  }
0x12: {  	s1 =	sld [smem:$0x3F99];
	s0 =	simm.s32 @p0 $0x1  }
0x13: {  	[smem:$0x3FB4] =	sst s0;
	s0 =	simm.s32 @!p1 $0x0  }
0x14: {  	s2 =	sld [smem:$0x3F98];
	s0 =	simm.s32 @p1 $0x1  }
0x15: {  	[smem:$0x3FB5] =	sst s0;
	s0 =	simm.s32 @!p2 $0x0  }
0x16: {  	s3 =	sld [smem:$0x3FDB];
	s0 =	simm.s32 @p2 $0x1  }
0x17: {  	s4 =	simm.s32 $0x1BF5;
	[smem:$0x3FB7] =	sst s0  }
0x18: {  	s0 =	sld [smem:$0x3F9A];
	_ =	swait.ge [sflag:s4], $0x0  }
0x19: {  	s7 =	sld [smem:$0x3F9B]  }
0x1a: {  	s8 =	sadd.s32 $0xFFFFE003, lr  }
0x1b: {  	s9 =	sadd.s32 $0xFFFFFEF7, lr;
	s5 =	simm.s32 $0xFFFFFFFF;
	p2 =	slt.u32 s8, $0xFFFFF086  }
0x1c: {  	p1 =	slt.u32 s9, $0xF7A;
	s5 =	simm.s32 @!p2 $0x0  }
0x1d: {  	s5 =	simm.s32 @p1 $0x1;
	p0 =	seq.s32 s7, s2  }
0x1e: {  	s7 =	smul.u32 @!p0 $0xF7A, s2;
	p2 =	seq.s32 @!p0 s5, $0x0  }
0x1f: {  	s9 =	smul.u32 $0xF7A, s1;
	s8 =	simm.s32 @!p0 $0x1BF5;
	p2 =	por !p2, p0  }
0x20: {  	[sflag:s8] =	ssyncset.s32 @!p0 $0xFFFFF086;
	s6 =	sadd.s32 @!p0 s3, s7;
	s7 =	simm.s32 @!p0 $0x108  }
0x21: {  	s3 =	sadd.s32 s3, s9;
	s6 =	sadd.s32 @!p0 $0x88, s6;
	s7 =	simm.s32 @p2 $0x1082  }
0x22: {  	[simem:s7], [sflag:s8] =	dma.local @!p0 [hbm:s6], $0xF7A  }
0x23: {  	s9 =	sor.u32 $0xD0000000, s2;
	s6 =	simm.s32 $0x108;
	_ =	swait.ge @!p0 [sflag:s8], $0x0  }
0x24: {  	s3 =	sadd.s32 $0x88, s3;
	s6 =	simm.s32 @!p1 $0x1082;
	[sflag:s4] =	ssyncset.s32 $0xFFFFF086  }
0x25: {  	[simem:s6], [sflag:s4] =	dma.local [hbm:s3], $0xF7A  }
0x26: {  	[smem:$0x3F9B] =	sst s1;
	(tag) =	ssettag s2;
	_ =	strace s9  }
0x27: {  	s1 =	sld [smem:$0x3FAB]  }
0x28: {  	s2 =	sld [smem:$0x3FAC]  }
0x29: {  	s4 =	sld [smem:$0x3FAE]  }
0x2a: {  	p0 =	seq.s32 s5, $0x0;
	s5 =	sld [smem:$0x3FAF]  }
0x2b: {  	s6 =	sld [smem:$0x3FB0]  }
0x2c: {  	s7 =	sld [smem:$0x3FB1]  }
0x2d: {  	s3 =	simm.s32 $0x108;
	s8 =	sld [smem:$0x3FB2]  }
0x2e: {  	s3 =	simm.s32 @!p0 $0x1082;
	s9 =	sld [smem:$0x3FB3]  }
0x2f: {  	lr =	sadd.s32 s0, s3;
	s0 =	sld [smem:$0x3FAA]  }
0x30: {  	s3 =	sld [smem:$0x3FAD]  }
0x31: {  	[smem:$0x3FB6] =	sst s10  }
0x32: {  	s10 =	sld [smem:$0x3FB4];
	_ =	sdelay $0x3  }
0x33: {  	p0 =	seq.s32 s10, $0x1;
	s10 =	sld [smem:$0x3FB6];
	_ =	sdelay $0x3  }
0x34: {  	[smem:$0x3FB6] =	sst s10  }
0x35: {  	s10 =	sld [smem:$0x3FB5];
	_ =	sdelay $0x3  }
0x36: {  	p1 =	seq.s32 s10, $0x1;
	s10 =	sld [smem:$0x3FB6];
	_ =	sdelay $0x3  }
0x37: {  	[smem:$0x3FB6] =	sst s10  }
0x38: {  	s10 =	sld [smem:$0x3FB7]  }
0x39: {  	_ = 	snop;
	(pc) =	sbr.ind lr, $3  }
0x3a: {  	_ = 	snop  }
0x3b: {  	_ = 	snop  }
0x3c: {  	p2 =	seq.s32 s10, $0x1;
	s10 =	sld [smem:$0x3FB6]  }
0x3d: {  	_ =	shalt  }
0x3e: {  	_ =	shalt  }
0x3f: {  	_ =	shalt  }
0x40: {  	_ =	shalt  }
0x41: {  	_ =	shalt  }
0x42: {  	_ =	shalt  }
0x43: {  	_ =	shalt  }
0x44: {  	_ =	shalt  }
0x45: {  	_ =	shalt  }
0x46: {  	_ =	shalt  }
0x47: {  	_ =	shalt  }
0x48: {  	_ =	shalt  }
0x49: {  	_ =	shalt  }
0x4a: {  	_ =	shalt  }
0x4b: {  	_ =	shalt  }
0x4c: {  	_ =	shalt  }
0x4d: {  	_ =	shalt  }
0x4e: {  	_ =	shalt  }
0x4f: {  	_ =	shalt  }
0x50: {  	_ =	shalt  }
0x51: {  	_ =	shalt  }
0x52: {  	_ =	shalt  }
0x53: {  	_ =	shalt  }
0x54: {  	_ =	shalt  }
0x55: {  	_ =	shalt  }
0x56: {  	_ =	shalt  }
0x57: {  	_ =	shalt  }
0x58: {  	_ =	shalt  }
0x59: {  	_ =	shalt  }
0x5a: {  	_ =	shalt  }
0x5b: {  	_ =	shalt  }
0x5c: {  	_ =	shalt  }
0x5d: {  	_ =	shalt  }
0x5e: {  	_ =	shalt  }
0x5f: {  	_ =	shalt  }
0x60: {  	_ =	shalt  }
0x61: {  	_ =	shalt  }
0x62: {  	_ =	shalt  }
0x63: {  	_ =	shalt  }
0x64: {  	_ =	shalt  }
0x65: {  	_ =	shalt  }
0x66: {  	_ =	shalt  }
0x67: {  	_ =	shalt  }
0x68: {  	_ =	shalt  }
0x69: {  	_ =	shalt  }
0x6a: {  	_ =	shalt  }
0x6b: {  	_ =	shalt  }
0x6c: {  	_ =	shalt  }
0x6d: {  	_ =	shalt  }
0x6e: {  	_ =	shalt  }
0x6f: {  	_ =	shalt  }
0x70: {  	_ =	shalt  }
0x71: {  	_ =	shalt  }
0x72: {  	_ =	shalt  }
0x73: {  	_ =	shalt  }
0x74: {  	_ =	shalt  }
0x75: {  	_ =	shalt  }
0x76: {  	_ =	shalt  }
0x77: {  	_ =	shalt  }
0x78: {  	_ =	shalt  }
0x79: {  	_ =	shalt  }
0x7a: {  	_ =	shalt  }
0x7b: {  	_ =	shalt  }
0x7c: {  	_ =	shalt  }
0x7d: {  	_ =	shalt  }
0x7e: {  	_ =	shalt  }
0x7f: {  	_ =	shalt  }
0x80: {  	_ =	shalt  }
0x81: {  	_ =	shalt  }
0x82: {  	_ =	shalt  }
0x83: {  	_ =	shalt  }
0x84: {  	_ =	shalt  }
0x85: {  	_ =	shalt  }
0x86: {  	_ =	shalt  }
0x87: {  	_ =	shalt  }
.Lfunc_end0:
.L_simem_size_0:
called_computation_lowered:
.L_overlay_start_0:
0x88: {  	s2 =	sld [smem:$0x3FD9]  }
0x89: {  	s3 =	sld [smem:$0x3FFE];
	_ =	sdelay $0x1  }
0x8a: {  	s1 =	srdreg.scid  }
0x8b: {  	s0 =	sand.u32 $0x1, s1  }
0x8c: {  	s17 =	sshll.u32 s0, $0xA;
	s2 =	sadd.s32 s3, s2  }
0x8d: {  	s2 =	sadd.s32 s2, s17  }
0x8e: {  	[smem:$0x3FC2] =	sst s2  }
0x8f: {  	_ = 	snop  }
0x90: {  	s2 =	sld [smem:$0x3FD0];
	(tm) =	ssettm $0x1  }
0x91: {  	s18 =	sld [smem:$0x3FFB];
	_ =	sdelay $0x3  }
0x92: {  	_ =	strace s18  }
0x93: {  	s3 =	sld [smem:$0x3FFC];
	_ =	sdelay $0x3  }
0x94: {  	_ =	strace s3  }
0x95: {  	s3 =	sld [smem:$0x3FFD];
	_ =	sdelay $0x3  }
0x96: {  	_ =	strace s3  }
0x97: {  	_ =	strace $0x8FFFFFFF  }
0x98: {  	s19 =	sld [smem:$0x3FDB];
	_ =	sdelay $0x1  }
0x99: {  	s4 =	simm.s32 $_scs_section_size  }
0x9a: {  	s5 =	simm.s32 $_size__tile_overlayer_lowered;
	s6 =	simm.s32 $_tile_overlayer_lowered  }
0x9b: {  	s22 =	simm.s32 $0x1BFF;
	s21 =	sshll.u32 s6, $0x1;
	s3 =	sadd.s32 s4, s19  }
0x9c: {  	s7 =	simm.s32 $0x0;
	s20 =	sshll.u32 s5, $0x1;
	s5 =	sadd.s32 s21, s3  }
0x9d: {  	[timem:s7], [sflag:s22] =	dma.local [hbm:s5], s20  }
0x9e: {  	_ =	swait.ge [sflag:s22], s20  }
0x9f: {  	s4 =	ssub.s32 $0x0, s20;
	[sflag:s22] =	ssyncset.done $0x0  }
0xa0: {  	[sflag:s22] =	ssyncadd.s32 s4;
	_ =	sdelay $0x1  }
0xa1: {  	s23 =	simm.s32 $0x1B8B  }
0xa2: {  	_ =	swait.ge [sflag:s23], $0x1  }
0xa3: {  	[sflag:s23] =	ssyncset.done $0x0  }
0xa4: {  	s25 =	simm.s32 $0x1B8E;
	s24 =	sld [smem:$0x3FFE];
	[sflag:s23] =	ssyncadd.s32 $0xFFFFFFFF  }
0xa5: {  	s26 =	simm.s32 $execute0_lowered;
	[smem:$0x3FD2] =	sst s25  }
0xa6: {  	s5 =	sshll.u32 s26, $0x1;
	_ =	strace $0x80000046;
	[dreg:$0x1] =	wrdreg $0xFFFFFFFF  }
0xa7: {  	s28 =	simm.s32 $_size_execute0_lowered;
	s3 =	sadd.s32 s3, s5;
	[dreg:$0x0] =	wrdreg $0x0  }
0xa8: {  	s5 =	sshll.u32 s28, $0x1;
	[dreg:$0x2] =	wrdreg s3  }
0xa9: {  	[dreg:$0x3] =	wrdreg s5  }
0xaa: {  	[dreg:$0x4] =	wrdreg $0xC0  }
0xab: {  	_ =	task [dreg:s7], $0x5FFFF  }
0xac: {  	[dreg:$0x1] =	wrdreg $0xFFFFFFFF  }
0xad: {  	[dreg:$0x0] =	wrdreg $0x60  }
0xae: {  	[dreg:$0x2] =	wrdreg s2  }
0xaf: {  	[dreg:$0x3] =	wrdreg s24  }
0xb0: {  	[dreg:$0x4] =	wrdreg $0xA8000  }
0xb1: {  	[dreg:$0x5] =	wrdreg $0x9  }
0xb2: {  	_ =	task.clear_ibuf [dreg:s7], $0x6FFFF;
	_ =	strace $0x90000046  }
0xb3: {  	s29 =	simm.s32 $0x9;
	_ =	strace $0x80000048  }
0xb4: {  	_ =	swait.ge [sflag:s29], $0x1  }
0xb5: {  	[sflag:s29] =	ssyncadd.s32 $0xFFFFFFFF  }
0xb6: {  	_ =	strace $0x90000048  }
0xb7: {  	_ =	sfence  }
0xb8: {  	s30 =	sld [smem:$0x0];
	_ =	sdelay $0x2  }
0xb9: {  	s31 =	sshll.u32 s1, $0xD;
	s1 =	sshrl.u32 s1, $0x2  }
0xba: {  	s3 =	sand.u32 $0x4000, s31;
	s1 =	sadd.s32 s1, s30  }
0xbb: {  	s0 =	sor.u32 s3, s0;
	s1 =	sshll.u32 s1, $0x11  }
0xbc: {  	s0 =	sor.u32 s1, s0  }
0xbd: {  	s0 =	sadd.s32 $0x8F2B, s0  }
0xbe: {  	[sflag:s0] =	ssyncadd.remote.s32 $0x1  }
0xbf: {  	_ =	sfence.sel $0xFFFF  }
0xc0: {  	[dreg:$0x0] =	wrdreg $0xFFFFFFFF;
	(pc) =	sbr.abs _section_cstart, $3  }
0xc1: {  	[dreg:$0x1] =	wrdreg $0xFFFFFFFF  }
0xc2: {  	_ =	task.clear_ibuf [dreg:s7], $0x2FFFF;
	_ =	strace $0x9FFFFFFF  }
0xc3: {  	(tm) =	ssettm $0x7FFFFFFF  }
tec
execute0_lowered:
.L_overlay_start_1:
0x0: {  	(tag) =	ssettag $0x1  }
0x1: {  	s1 =	rddreg [dreg:$0x0]  }
0x2: {  	s5 =	rddreg [dreg:$0x1]  }
0x3: {  	s2 =	rddreg [dreg:$0x2]  }
0x4: {  	s0 =	rddreg [dreg:$0x3]  }
0x5: {  	s4 =	simm.s32 $0x0;
	s3 =	stileid.u32;
	s6 =	srdreg.scid  }
0x6: {  	s17 =	simm.s32 $0x2800;
	s18 =	simm.s32 $0x6800;
	s19 =	simm.s32 $0x1  }
0x7: {  	s20 =	simm.s32 $0x2;
	s21 =	simm.s32 $0x2700;
	s22 =	simm.s32 $0x2780  }
0x8: {  	s23 =	simm.s32 $0x0;
	[smem:$0x7FF] =	sst s4;
	s9 =	sadd.s32 $0xC000, s5  }
0x9: {  	s10 =	sadd.s32 $0x2000, s5;
	s7 =	smul.u32 $0x2800, s3;
	s11 =	sand.u32 $0x1, s6  }
0xa: {  	s12 =	smul.u32 $0x50000, s3;
	s29 =	sshll.u32 s3, $0x6;
	_ =	strace $0x80000047  }
0xb: {  	s6 =	ssub.s32 $0x2, s11;
	s8 =	sshll.u32 s11, $0x4;
	p0 =	seq.s32 s11, $0x1  }
0xc: {  	s13 =	sadd.s32 s7, s5;
	s25 =	sshrl.u32 s6, $0x1;
	s26 =	sor.u32 s3, s8  }
0xd: {  	s28 =	sshrl.u32 s12, $0x2;
	s14 =	ssub.s32 s6, s25;
	s8 =	smul.u32 $0x2800, s26  }
0xe: {  	s15 =	sadd.s32 s28, s2;
	s30 =	smul.u32 $0x500, s26;
	s5 =	sadd.s32 $0x20000, s13  }
0xf: {  	s6 =	sor.u32 $0x1C03, s29;
	s11 =	smax.u32 s14, $0x1;
	s16 =	sshrl.u32 s8, $0x3  }
0x10: {  	s14 =	simm.s32 $0x3;
	s31 =	sadd.s32 $0x280, s16;
	s16 =	simm.s32 $0x70000  }
0x11: {  	s7 =	sadd.s32 s9, s30;
	s8 =	sadd.s32 s10, s30;
	s16 =	simm.s32 @!p0 $0x48000  }
0x12: {  	s9 =	sadd.s32 s9, s31;
	s10 =	sadd.s32 s10, s31;
	s12 =	sadd.s32 s16, s13  }
0x13: {  	s13 =	sshrl.u32 s15, $0x3;
	s15 =	simm.s32 $0x1400;
	s16 =	simm.s32 $0x80  }
.LBB2_1:
0x14: {  	[spmem:s13], [sflag:s6] =	dma.local [hbm:s5], $0x2800  }
0x15: {  	_ =	swait.ge [sflag:s14], $0x2800  }
0x16: {  	[sflag:s14] =	ssyncset.done $0x0  }
0x17: {  	[sflag:s14] =	ssyncadd.s32 $0xFFFFD800  }
0x18: {  	[tilespmem:s4], [sflag:$0x3] =	stream.linear.gather [hbm4b:s7+s4], $0x1400, $0x38;
	[tilespmem:$0x1E800] =	vst v63  }
0x19: {  	_ =	swait.ge [sflag:s14], $0x1400  }
0x1a: {  	[sflag:s14] =	ssyncset.done $0x0  }
0x1b: {  	[sflag:s14] =	ssyncadd.s32 $0xFFFFEC00  }
0x1c: {  	[tilespmem:s15], [sflag:$0x3] =	stream.linear.gather [hbm4b:s8+s4], $0x1400, $0x38;
	[tilespmem:$0x1E800] =	vst v63  }
0x1d: {  	_ =	swait.ge [sflag:s14], $0x1400  }
0x1e: {  	[sflag:s14] =	ssyncset.done $0x0  }
0x1f: {  	[sflag:s14] =	ssyncadd.s32 $0xFFFFEC00  }
0x20: {  	[bflag:$0x0] =	sbarrier.arrive $0xFFFF  }
0x21: {  	[tilespmem:s17], [sflag:$0x1] =	stream.indirect.gather [hbm4b:s1+s16], $0x80, s4, s16, $0xb8;
	[tilespmem:$0x1E800] =	vst v63  }
0x22: {  	_ = 	snop  }
0x23: {  	[tilespmem:s18], [sflag:$0x2] =	stream.indirect.gather [hbm4b:s1+s16], $0x80, s16, s16, $0xb8;
	[tilespmem:$0x1E800] =	vst v63  }
0x24: {  	_ =	swait.ge [sflag:s19], $0x4000  }
0x25: {  	[sflag:s19] =	ssyncset.done $0x0  }
0x26: {  	s24 =	simm.s32 $0x1400;
	[sflag:s19] =	ssyncadd.s32 $0xFFFFC000  }
0x27: {  	[spmem:s2] =	stream.indirect.scatter.add.f32 [tilespmem:s17], [sflag:$0x3], $0x80, s24, s16, $0xb8;
	[tilespmem:$0x1E800] =	vst v63  }
0x28: {  	_ =	swait.ge [sflag:s14], $0x4000  }
0x29: {  	[sflag:s14] =	ssyncset.done $0x0  }
0x2a: {  	s30 =	simm.s32 $0x100;
	[sflag:s14] =	ssyncadd.s32 $0xFFFFC000  }
0x2b: {  	[tilespmem:s17], [sflag:$0x1] =	stream.indirect.gather [hbm4b:s1+s16], $0x80, s30, s16, $0xb8;
	[tilespmem:$0x1E800] =	vst v63  }
0x2c: {  	_ =	swait.ge [sflag:s20], $0x4000  }
0x2d: {  	[sflag:s20] =	ssyncset.done $0x0  }
0x2e: {  	s31 =	simm.s32 $0x1480;
	[sflag:s20] =	ssyncadd.s32 $0xFFFFC000  }
0x2f: {  	[spmem:s2] =	stream.indirect.scatter.add.f32 [tilespmem:s18], [sflag:$0x3], $0x80, s31, s16, $0xb8;
	[tilespmem:$0x1E800] =	vst v63  }
0x30: {  	_ =	swait.ge [sflag:s14], $0x4000  }
0x31: {  	[sflag:s14] =	ssyncset.done $0x0  }
0x32: {  	s25 =	simm.s32 $0x180;
	s24 =	simm.s32 $0x400;
	[sflag:s14] =	ssyncadd.s32 $0xFFFFC000  }
.LBB2_2:
0x33: {  	[tilespmem:s18], [sflag:$0x2] =	stream.indirect.gather [hbm4b:s1+s16], $0x80, s25, s16, $0xb8;
	[tilespmem:$0x1E800] =	vst v63  }
0x34: {  	s25 =	smov.u32 s24  }
0x35: {  	p0 =	sne.s32 s24, $0x4800;
	s24 =	sadd.s32 $0x400, s24;
	_ =	swait.ge [sflag:s19], $0x4000  }
0x36: {  	s25 =	sshra.s32 s25, $0x2;
	[sflag:s19] =	ssyncset.done $0x0  }
0x37: {  	s26 =	sadd.s32 $0x1400, s25;
	[sflag:s19] =	ssyncadd.s32 $0xFFFFC000  }
0x38: {  	[spmem:s2] =	stream.indirect.scatter.add.f32 [tilespmem:s17], [sflag:$0x3], $0x80, s26, s16, $0xb8;
	[tilespmem:$0x1E800] =	vst v63  }
0x39: {  	_ =	swait.ge [sflag:s14], $0x4000  }
0x3a: {  	[sflag:s14] =	ssyncset.done $0x0  }
0x3b: {  	s26 =	sadd.s32 $0x100, s25;
	[sflag:s14] =	ssyncadd.s32 $0xFFFFC000  }
0x3c: {  	[tilespmem:s17], [sflag:$0x1] =	stream.indirect.gather [hbm4b:s1+s16], $0x80, s26, s16, $0xb8;
	[tilespmem:$0x1E800] =	vst v63  }
0x3d: {  	_ =	swait.ge [sflag:s20], $0x4000  }
0x3e: {  	[sflag:s20] =	ssyncset.done $0x0  }
.Ltmp0:
0x3f: {  	s26 =	sadd.s32 $0x1480, s25;
	[sflag:s20] =	ssyncadd.s32 $0xFFFFC000;
	(pc) =	sbr.rel @p0 .LBB2_2-.Ltmp0, $4  }
0x40: {  	[spmem:s2] =	stream.indirect.scatter.add.f32 [tilespmem:s18], [sflag:$0x3], $0x80, s26, s16, $0xb8;
	[tilespmem:$0x1E800] =	vst v63  }
0x41: {  	_ =	swait.ge [sflag:s14], $0x4000  }
0x42: {  	[sflag:s14] =	ssyncset.done $0x0  }
0x43: {  	s25 =	sadd.s32 $0x180, s25;
	[sflag:s14] =	ssyncadd.s32 $0xFFFFC000  }
0x44: {  	[tilespmem:s18], [sflag:$0x2] =	stream.indirect.gather [hbm4b:s1+s16], $0x80, s25, s16, $0xb8;
	[tilespmem:$0x1E800] =	vst v63  }
0x45: {  	_ =	swait.ge [sflag:s19], $0x4000  }
0x46: {  	[sflag:s19] =	ssyncset.done $0x0  }
0x47: {  	[sflag:s19] =	ssyncadd.s32 $0xFFFFC000  }
0x48: {  	[spmem:s2] =	stream.indirect.scatter.add.f32 [tilespmem:s17], [sflag:$0x3], $0x80, s21, s16, $0xb8;
	[tilespmem:$0x1E800] =	vst v63  }
0x49: {  	_ =	swait.ge [sflag:s14], $0x4000  }
0x4a: {  	[sflag:s14] =	ssyncset.done $0x0  }
0x4b: {  	[sflag:s14] =	ssyncadd.s32 $0xFFFFC000  }
0x4c: {  	_ =	swait.ge [sflag:s20], $0x4000  }
0x4d: {  	[sflag:s20] =	ssyncset.done $0x0  }
0x4e: {  	[sflag:s20] =	ssyncadd.s32 $0xFFFFC000  }
0x4f: {  	[spmem:s2] =	stream.indirect.scatter.add.f32 [tilespmem:s18], [sflag:$0x3], $0x80, s22, s16, $0xb8;
	[tilespmem:$0x1E800] =	vst v63  }
0x50: {  	_ =	swait.ge [sflag:s14], $0x4000  }
0x51: {  	[sflag:s14] =	ssyncset.done $0x0  }
0x52: {  	s24 =	simm.s32 $0x0;
	[sflag:s14] =	ssyncadd.s32 $0xFFFFC000  }
0x53: {  	[tilespmem:s24], [sflag:$0x3] =	stream.linear.gather [hbm4b:s9+s24], $0x1400, $0x38;
	[tilespmem:$0x1E800] =	vst v63  }
0x54: {  	_ =	swait.ge [sflag:s14], $0x1400  }
0x55: {  	[sflag:s14] =	ssyncset.done $0x0  }
0x56: {  	[sflag:s14] =	ssyncadd.s32 $0xFFFFEC00  }
0x57: {  	[tilespmem:s15], [sflag:$0x3] =	stream.linear.gather [hbm4b:s10+s24], $0x1400, $0x38;
	[tilespmem:$0x1E800] =	vst v63  }
0x58: {  	_ =	swait.ge [sflag:s14], $0x1400  }
0x59: {  	[sflag:s14] =	ssyncset.done $0x0  }
0x5a: {  	[sflag:s14] =	ssyncadd.s32 $0xFFFFEC00  }
0x5b: {  	[tilespmem:s17], [sflag:$0x1] =	stream.indirect.gather [hbm4b:s1+s16], $0x80, s24, s16, $0xb8;
	[tilespmem:$0x1E800] =	vst v63  }
0x5c: {  	_ = 	snop  }
0x5d: {  	[tilespmem:s18], [sflag:$0x2] =	stream.indirect.gather [hbm4b:s1+s16], $0x80, s16, s16, $0xb8;
	[tilespmem:$0x1E800] =	vst v63  }
0x5e: {  	_ =	swait.ge [sflag:s19], $0x4000  }
0x5f: {  	[sflag:s19] =	ssyncset.done $0x0  }
0x60: {  	s29 =	simm.s32 $0x1400;
	[sflag:s19] =	ssyncadd.s32 $0xFFFFC000  }
0x61: {  	[spmem:s2] =	stream.indirect.scatter.add.f32 [tilespmem:s17], [sflag:$0x3], $0x80, s29, s16, $0xb8;
	[tilespmem:$0x1E800] =	vst v63  }
0x62: {  	_ =	swait.ge [sflag:s14], $0x4000  }
0x63: {  	[sflag:s14] =	ssyncset.done $0x0  }
0x64: {  	s30 =	simm.s32 $0x100;
	[sflag:s14] =	ssyncadd.s32 $0xFFFFC000  }
0x65: {  	[tilespmem:s17], [sflag:$0x1] =	stream.indirect.gather [hbm4b:s1+s16], $0x80, s30, s16, $0xb8;
	[tilespmem:$0x1E800] =	vst v63  }
0x66: {  	_ =	swait.ge [sflag:s20], $0x4000  }
0x67: {  	[sflag:s20] =	ssyncset.done $0x0  }
0x68: {  	s31 =	simm.s32 $0x1480;
	[sflag:s20] =	ssyncadd.s32 $0xFFFFC000  }
0x69: {  	[spmem:s2] =	stream.indirect.scatter.add.f32 [tilespmem:s18], [sflag:$0x3], $0x80, s31, s16, $0xb8;
	[tilespmem:$0x1E800] =	vst v63  }
0x6a: {  	_ =	swait.ge [sflag:s14], $0x4000  }
0x6b: {  	[sflag:s14] =	ssyncset.done $0x0  }
0x6c: {  	s25 =	simm.s32 $0x180;
	s24 =	simm.s32 $0x400;
	[sflag:s14] =	ssyncadd.s32 $0xFFFFC000  }
.LBB2_4:
0x6d: {  	[tilespmem:s18], [sflag:$0x2] =	stream.indirect.gather [hbm4b:s1+s16], $0x80, s25, s16, $0xb8;
	[tilespmem:$0x1E800] =	vst v63  }
0x6e: {  	s25 =	smov.u32 s24  }
0x6f: {  	p0 =	sne.s32 s24, $0x4800;
	s24 =	sadd.s32 $0x400, s24;
	_ =	swait.ge [sflag:s19], $0x4000  }
0x70: {  	s25 =	sshra.s32 s25, $0x2;
	[sflag:s19] =	ssyncset.done $0x0  }
0x71: {  	s26 =	sadd.s32 $0x1400, s25;
	[sflag:s19] =	ssyncadd.s32 $0xFFFFC000  }
0x72: {  	[spmem:s2] =	stream.indirect.scatter.add.f32 [tilespmem:s17], [sflag:$0x3], $0x80, s26, s16, $0xb8;
	[tilespmem:$0x1E800] =	vst v63  }
0x73: {  	_ =	swait.ge [sflag:s14], $0x4000  }
0x74: {  	[sflag:s14] =	ssyncset.done $0x0  }
0x75: {  	s26 =	sadd.s32 $0x100, s25;
	[sflag:s14] =	ssyncadd.s32 $0xFFFFC000  }
0x76: {  	[tilespmem:s17], [sflag:$0x1] =	stream.indirect.gather [hbm4b:s1+s16], $0x80, s26, s16, $0xb8;
	[tilespmem:$0x1E800] =	vst v63  }
0x77: {  	_ =	swait.ge [sflag:s20], $0x4000  }
0x78: {  	[sflag:s20] =	ssyncset.done $0x0  }
.Ltmp1:
0x79: {  	s26 =	sadd.s32 $0x1480, s25;
	[sflag:s20] =	ssyncadd.s32 $0xFFFFC000;
	(pc) =	sbr.rel @p0 .LBB2_4-.Ltmp1, $4  }
0x7a: {  	[spmem:s2] =	stream.indirect.scatter.add.f32 [tilespmem:s18], [sflag:$0x3], $0x80, s26, s16, $0xb8;
	[tilespmem:$0x1E800] =	vst v63  }
0x7b: {  	_ =	swait.ge [sflag:s14], $0x4000  }
0x7c: {  	[sflag:s14] =	ssyncset.done $0x0  }
0x7d: {  	s25 =	sadd.s32 $0x180, s25;
	[sflag:s14] =	ssyncadd.s32 $0xFFFFC000  }
0x7e: {  	[tilespmem:s18], [sflag:$0x2] =	stream.indirect.gather [hbm4b:s1+s16], $0x80, s25, s16, $0xb8;
	[tilespmem:$0x1E800] =	vst v63  }
0x7f: {  	_ =	swait.ge [sflag:s19], $0x4000  }
0x80: {  	[sflag:s19] =	ssyncset.done $0x0  }
0x81: {  	[sflag:s19] =	ssyncadd.s32 $0xFFFFC000  }
0x82: {  	[spmem:s2] =	stream.indirect.scatter.add.f32 [tilespmem:s17], [sflag:$0x3], $0x80, s21, s16, $0xb8;
	[tilespmem:$0x1E800] =	vst v63  }
0x83: {  	_ =	swait.ge [sflag:s14], $0x4000  }
0x84: {  	[sflag:s14] =	ssyncset.done $0x0  }
0x85: {  	[sflag:s14] =	ssyncadd.s32 $0xFFFFC000  }
0x86: {  	_ =	swait.ge [sflag:s20], $0x4000  }
0x87: {  	[sflag:s20] =	ssyncset.done $0x0  }
0x88: {  	[sflag:s20] =	ssyncadd.s32 $0xFFFFC000  }
0x89: {  	[spmem:s2] =	stream.indirect.scatter.add.f32 [tilespmem:s18], [sflag:$0x3], $0x80, s22, s16, $0xb8;
	[tilespmem:$0x1E800] =	vst v63  }
0x8a: {  	_ =	swait.ge [sflag:s14], $0x4000  }
0x8b: {  	s23 =	sadd.s32 $0x1, s23;
	[sflag:s14] =	ssyncset.done $0x0  }
0x8c: {  	p0 =	sne.s32 s23, s11;
	[sflag:s14] =	ssyncadd.s32 $0xFFFFC000  }
.Ltmp2:
0x8d: {  	[bflag:$0x0] =	sbarrier.arrive $0xFFFF;
	(pc) =	sbr.rel @p0 .LBB2_1-.Ltmp2, $4  }
0x8e: {  	[hbm:s12], [sflag:s6] =	dma.local [spmem:s13], $0x2800  }
0x8f: {  	_ =	swait.ge [sflag:s14], $0x2800  }
0x90: {  	[sflag:s14] =	ssyncset.done $0x0  }
0x91: {  	[sflag:s14] =	ssyncadd.s32 $0xFFFFD800  }
0x92: {  	_ =	sfence.sel $0x180000  }
0x93: {  	[bflag:$0x0] =	sbarrier.arrive $0xFFFF  }
0x94: {  	p0 =	sne.s32 s3, $0x0;
	_ =	strace $0x90000047  }
0x95: {  	s0 =	sadd.s32 @!p0 $0x100000, s0;
	[bflag:$0x2] =	sbarrier.arrive $0xFFFF  }
0x96: {  	[sflag:s0] =	ssyncadd.tile.s32 @!p0 $0x1;
	_ =	shalt  }
.Lfunc_end2:
_tile_overlayer_lowered:
.L_overlay_start_2:
0x97: {  	(tag) =	ssettag $0x2  }
0x98: {  	s0 =	rddreg [dreg:$0x0];
	s2 =	stileid.u32  }
0x99: {  	s1 =	rddreg [dreg:$0x1];
	p0 =	sne.s32 s2, $0x0  }
0x9a: {  	s3 =	rddreg [dreg:$0x2];
	[bflag:$0x3] =	sbarrier.arrive $0xFFFF;
	s2 =	simm.s32 @!p0 $0x1C03  }
0x9b: {  	[timem:s3], [sflag:s2] =	dma.local @!p0 [hbm:s0], s1  }
0x9c: {  	s0 =	simm.s32 @!p0 $0x3  }
0x9d: {  	_ =	swait.ge @!p0 [sflag:s0], s1  }
0x9e: {  	s1 =	ssub.s32 @!p0 $0x0, s1;
	[sflag:s0] =	ssyncset.done @!p0 $0x0  }
0x9f: {  	[sflag:s0] =	ssyncadd.s32 @!p0 s1  }
0xa0: {  	[bflag:$0x3] =	sbarrier.arrive $0xFFFF  }
0xa1: {  	_ =	shalt  }

</sc_bundles>
